<compile_context>
chip_gen: v7x
topology: tpu7x:2x2x1
jax: 0.10.2.dev20260603
libtpu: 0.0.44.dev20260713+nightly
codegen_flags: <defaults>
</compile_context>

<pallas_src>
import functools

import jax
import jax.numpy as jnp
from jax import lax
from jax.experimental import pallas as pl
from jax.experimental.pallas import tpu as pltpu
from jax.experimental.pallas import tpu_sc as plsc

NC = 2
NS = 16
NW = NC * NS
L = 16

EMB_DIM = 64
NCLS = 50


def _cls_body(batch, j0, nj, inp_hbm, w2s_hbm, cls_hbm, w2s_v, in_v, out_v):
    wid = lax.axis_index("s") * NC + lax.axis_index("c")
    bw = batch // NW
    b0 = pl.multiple_of(wid * bw, bw)
    pltpu.sync_copy(w2s_hbm, w2s_v)
    pltpu.sync_copy(inp_hbm.at[pl.ds(b0, bw)], in_v)
    iota = jnp.arange(L, dtype=jnp.int32)

    def j_body(j, carry):
        jv = jnp.zeros((L,), jnp.int32) + (j0 + j)
        for g in range(bw // L):
            widx = plsc.load_gather(in_v, [iota + g * L, jv])
            cls = plsc.load_gather(w2s_v, [widx])
            out_v[j, pl.ds(g * L, L)] = cls
        return carry

    lax.fori_loop(0, nj, j_body, 0)
    pltpu.sync_copy(out_v, cls_hbm.at[:, pl.ds(b0, bw)])


def _expand_kernel(cls_ref, emb_ref, out_ref):
    jb, batch = cls_ref.shape
    iota_c = lax.broadcasted_iota(jnp.int32, (NCLS, batch), 0)
    emb = emb_ref[...]
    e1 = emb.astype(jnp.bfloat16).astype(jnp.float32)
    e2 = emb - e1
    dims = (((0,), (0,)), ((), ()))
    for jj in range(jb):
        cls = cls_ref[jj, :].reshape(1, batch)
        onehot = jnp.where(iota_c == cls, 1.0, 0.0).astype(jnp.float32)
        out_ref[jj] = (
            lax.dot_general(e1, onehot, dims,
                            preferred_element_type=jnp.float32)
            + lax.dot_general(e2, onehot, dims,
                              preferred_element_type=jnp.float32))


def _expand_tail_kernel(prev_ref, cls_ref, emb_ref, out_ref):
    del prev_ref
    _expand_kernel(cls_ref, emb_ref, out_ref)


def _impl(inp, w2s, emb):
    batch, hist = inp.shape
    bw = batch // NW
    JB = 8
    H0 = 72
    H1 = hist - H0
    GA, GB = H0 // JB, H1 // JB

    mesh = plsc.VectorSubcoreMesh(core_axis_name="c", subcore_axis_name="s")
    params = pltpu.CompilerParams(needs_layout_passes=False)

    def cls_kernel(j0, nj):
        return pl.kernel(
            functools.partial(_cls_body, batch, j0, nj),
            out_type=jax.ShapeDtypeStruct((nj, batch), jnp.int32),
            mesh=mesh,
            compiler_params=params,
            scratch_types=[
                pltpu.VMEM((w2s.shape[0],), jnp.int32),
                pltpu.VMEM((bw, hist), jnp.int32),
                pltpu.VMEM((nj, bw), jnp.int32),
            ],
        )(inp.astype(jnp.int32), w2s.astype(jnp.int32))

    cls_a = cls_kernel(0, H0)
    cls_b = cls_kernel(H0, H1)

    out_shape = jax.ShapeDtypeStruct((hist, EMB_DIM, batch), jnp.float32)
    emb_spec = pl.BlockSpec((NCLS, EMB_DIM), lambda j: (0, 0))

    out0 = pl.pallas_call(
        _expand_kernel,
        grid=(GA,),
        in_specs=[
            pl.BlockSpec((JB, batch), lambda j: (j, 0)),
            emb_spec,
        ],
        out_specs=pl.BlockSpec((JB, EMB_DIM, batch), lambda j: (j, 0, 0)),
        out_shape=out_shape,
    )(cls_a, emb)

    out_t = pl.pallas_call(
        _expand_tail_kernel,
        grid=(GB,),
        in_specs=[
            pl.BlockSpec(memory_space=pl.ANY),
            pl.BlockSpec((JB, batch), lambda j: (j, 0)),
            emb_spec,
        ],
        out_specs=pl.BlockSpec((JB, EMB_DIM, batch),
                               lambda j: (j + GA, 0, 0)),
        out_shape=out_shape,
        input_output_aliases={0: 0},
    )(out0, cls_b, emb)

    return jnp.transpose(out_t, (2, 0, 1))


_jit_impl = jax.jit(_impl)


def kernel(input, word2syllable, embedding):
    return _jit_impl(input, word2syllable, embedding)

# --- scband reference (transcript-rebuilt; emitter-appended) ---
"""Pipeline reference for scband-syllable-embedding-34720515620881 (READ-ONLY COPY).

The authoritative reference and input builder live on the scoring server;
editing this copy changes nothing except your own understanding.
"""

import jax, jax.numpy as jnp
import numpy as np

VOCAB = 1000
NUM_CLASSES = 50
EMB_DIM = 64


def setup_inputs(seed: int = 0) -> dict:
    key = jax.random.key(seed)
    k1, k2 = jax.random.split(key)
    # word indices: [batch=4096, hist_len=200], values in [0, VOCAB)
    inp = jax.random.randint(k1, (4096, 200), 0, VOCAB, dtype=jnp.int64 if jax.config.jax_enable_x64 else jnp.int32)
    # word2syllable buffer: maps word id -> syllable count class (0..49)
    word2syllable = jnp.arange(VOCAB, dtype=jnp.int32) % NUM_CLASSES
    # embedding table over syllable classes, init 'normal1' (std=0.02)
    embedding = jax.random.normal(k2, (NUM_CLASSES, EMB_DIM), dtype=jnp.float32) * 0.02
    return {"input": inp, "word2syllable": word2syllable, "embedding": embedding}


def reference(input, word2syllable, embedding):
    # get_syllable_nums: gather syllable class id per word id
    syllable_nums = jnp.take(word2syllable, input, axis=0)
    # embedding lookup over syllable classes; out_proj is Identity since
    # embedding_dim == output_dim
    out = jnp.take(embedding, syllable_nums, axis=0)
    return out

if __name__ == "__main__":
    import jax
    _d = setup_inputs()
    print(jax.jit(kernel)(*tuple(_d.values())))

</pallas_src>

<mosaic_0001>
#map = affine_map<(d0, d1) -> (0, 0)>
#map1 = affine_map<(d0, d1) -> (0)>
module attributes {stable_mosaic.version = 14 : i64} {
  func.func @_cls_body(%arg0: i32, %arg1: i32, %arg2: memref<4096x200xi32, #tpu.memory_space<hbm>>, %arg3: memref<1000xi32, #tpu.memory_space<hbm>>, %arg4: memref<72x4096xi32, #tpu.memory_space<hbm>>, %arg5: memref<1000xi32, #tpu.memory_space<vmem>>, %arg6: memref<128x200xi32, #tpu.memory_space<vmem>>, %arg7: memref<72x128xi32, #tpu.memory_space<vmem>>) attributes {dimension_semantics = [#tpu.dimension_semantics<core_parallel>, #tpu.dimension_semantics<subcore_parallel>], iteration_bounds = array<i64: 2, 16>, scalar_prefetch = 0 : i64, scratch_operands = 3 : i64, tpu.core_type = #tpu.core_type<sc_vector_subcore>, window_params = [{transform_indices = #map}, {transform_indices = #map1}, {transform_indices = #map}]} {
    %mul3A = arith.constant 2 : i32
    %mul3A_0 = arith.muli %arg1, %mul3A : i32
    %add3A = arith.addi %mul3A_0, %arg0 : i32
    %mul3A_1 = arith.constant 128 : i32
    %mul3A_2 = arith.muli %add3A, %mul3A_1 : i32
    %multiple_of3A = tpu.assume_multiple %mul3A_2, 128 : i32
    "tpu.region"() ({
      %run_scoped3A = tpu.sem_alloc : memref<!tpu.dma_semaphore, #tpu.memory_space<semaphore_mem>>
      tpu.enqueue_dma source(%arg3 : memref<1000xi32, #tpu.memory_space<hbm>>) target(%arg5 : memref<1000xi32, #tpu.memory_space<vmem>>) target_semaphore(%run_scoped3A : memref<!tpu.dma_semaphore, #tpu.memory_space<semaphore_mem>>)
      tpu.wait_dma2 semaphore(%run_scoped3A : memref<!tpu.dma_semaphore, #tpu.memory_space<semaphore_mem>>) src(%arg3 : memref<1000xi32, #tpu.memory_space<hbm>>) dst(%arg5 : memref<1000xi32, #tpu.memory_space<vmem>>)
      tpu.yield
    }) : () -> ()
    "tpu.region"() ({
      %run_scoped3A = tpu.sem_alloc : memref<!tpu.dma_semaphore, #tpu.memory_space<semaphore_mem>>
      %dma_start3A = arith.constant 0 : i32
      %dma_start3A_8 = tpu.memref_slice %arg2[%multiple_of3A, %dma_start3A] : memref<4096x200xi32, #tpu.memory_space<hbm>> -> memref<128x200xi32, #tpu.memory_space<hbm>>
      %dma_start3A_9 = arith.constant 0 : i32
      %dma_start3A_10 = tpu.memref_slice %arg2[%multiple_of3A, %dma_start3A_9] : memref<4096x200xi32, #tpu.memory_space<hbm>> -> memref<128x200xi32, #tpu.memory_space<hbm>>
      tpu.enqueue_dma source(%dma_start3A_10 : memref<128x200xi32, #tpu.memory_space<hbm>>) target(%arg6 : memref<128x200xi32, #tpu.memory_space<vmem>>) target_semaphore(%run_scoped3A : memref<!tpu.dma_semaphore, #tpu.memory_space<semaphore_mem>>)
      %dma_wait3A = arith.constant 0 : i32
      %dma_wait3A_11 = tpu.memref_slice %arg2[%multiple_of3A, %dma_wait3A] : memref<4096x200xi32, #tpu.memory_space<hbm>> -> memref<128x200xi32, #tpu.memory_space<hbm>>
      %dma_wait3A_12 = arith.constant 0 : i32
      %dma_wait3A_13 = tpu.memref_slice %arg2[%multiple_of3A, %dma_wait3A_12] : memref<4096x200xi32, #tpu.memory_space<hbm>> -> memref<128x200xi32, #tpu.memory_space<hbm>>
      tpu.wait_dma2 semaphore(%run_scoped3A : memref<!tpu.dma_semaphore, #tpu.memory_space<semaphore_mem>>) src(%dma_wait3A_13 : memref<128x200xi32, #tpu.memory_space<hbm>>) dst(%arg6 : memref<128x200xi32, #tpu.memory_space<vmem>>)
      tpu.yield
    }) : () -> ()
    %iota3A = tpu.iota {dimensions = array<i32: 0>} : vector<16xi32>
    %scan3A = arith.constant 0 : i32
    %scan3A_3 = arith.constant 0 : i32
    %scan3A_4 = arith.constant 72 : i32
    %scan3A_5 = arith.addi %scan3A_3, %scan3A_4 : i32
    %scan3A_6 = arith.constant 1 : i32
    scf.for %scan3A_8 = %scan3A_3 to %scan3A_5 step %scan3A_6  : i32 {
      %broadcast_in_dim3A = arith.constant 0 : i32
      %broadcast_in_dim3A_9 = vector.broadcast %broadcast_in_dim3A : i32 to vector<16xi32>
      %add3A_10 = arith.constant 0 : i32
      %add3A_11 = arith.addi %add3A_10, %scan3A_8 : i32
      %add3A_12 = vector.broadcast %add3A_11 : i32 to vector<16xi32>
      %add3A_13 = arith.addi %broadcast_in_dim3A_9, %add3A_12 : vector<16xi32>
      %add3A_14 = arith.constant 0 : i32
      %add3A_15 = vector.broadcast %add3A_14 : i32 to vector<16xi32>
      %add3A_16 = arith.addi %iota3A, %add3A_15 : vector<16xi32>
      %gather3A = tpu.vector_load_idx %arg6[%add3A_16, %add3A_13] : memref<128x200xi32, #tpu.memory_space<vmem>>[vector<16xi32>, vector<16xi32>], vector<16xi32>,
      %gather3A_17 = tpu.vector_load_idx %arg5[%gather3A] : memref<1000xi32, #tpu.memory_space<vmem>>[vector<16xi32>], vector<16xi32>,
      %swap3A = arith.index_cast %scan3A_8 : i32 to index
      %swap3A_18 = arith.constant 0 : index
      %swap3A_19 = tpu.vector_load %arg7[%swap3A, %swap3A_18] {strides = array<i32>} : memref<72x128xi32, #tpu.memory_space<vmem>>, vector<16xi32>,
      tpu.vector_store %arg7[%swap3A, %swap3A_18], %gather3A_17 {strides = array<i32>} : memref<72x128xi32, #tpu.memory_space<vmem>>, vector<16xi32>,
      %add3A_20 = arith.constant 16 : i32
      %add3A_21 = vector.broadcast %add3A_20 : i32 to vector<16xi32>
      %add3A_22 = arith.addi %iota3A, %add3A_21 : vector<16xi32>
      %gather3A_23 = tpu.vector_load_idx %arg6[%add3A_22, %add3A_13] : memref<128x200xi32, #tpu.memory_space<vmem>>[vector<16xi32>, vector<16xi32>], vector<16xi32>,
      %gather3A_24 = tpu.vector_load_idx %arg5[%gather3A_23] : memref<1000xi32, #tpu.memory_space<vmem>>[vector<16xi32>], vector<16xi32>,
      %swap3A_25 = arith.index_cast %scan3A_8 : i32 to index
      %swap3A_26 = arith.constant 16 : index
      %swap3A_27 = tpu.vector_load %arg7[%swap3A_25, %swap3A_26] {strides = array<i32>} : memref<72x128xi32, #tpu.memory_space<vmem>>, vector<16xi32>,
      tpu.vector_store %arg7[%swap3A_25, %swap3A_26], %gather3A_24 {strides = array<i32>} : memref<72x128xi32, #tpu.memory_space<vmem>>, vector<16xi32>,
      %add3A_28 = arith.constant 32 : i32
      %add3A_29 = vector.broadcast %add3A_28 : i32 to vector<16xi32>
      %add3A_30 = arith.addi %iota3A, %add3A_29 : vector<16xi32>
      %gather3A_31 = tpu.vector_load_idx %arg6[%add3A_30, %add3A_13] : memref<128x200xi32, #tpu.memory_space<vmem>>[vector<16xi32>, vector<16xi32>], vector<16xi32>,
      %gather3A_32 = tpu.vector_load_idx %arg5[%gather3A_31] : memref<1000xi32, #tpu.memory_space<vmem>>[vector<16xi32>], vector<16xi32>,
      %swap3A_33 = arith.index_cast %scan3A_8 : i32 to index
      %swap3A_34 = arith.constant 32 : index
      %swap3A_35 = tpu.vector_load %arg7[%swap3A_33, %swap3A_34] {strides = array<i32>} : memref<72x128xi32, #tpu.memory_space<vmem>>, vector<16xi32>,
      tpu.vector_store %arg7[%swap3A_33, %swap3A_34], %gather3A_32 {strides = array<i32>} : memref<72x128xi32, #tpu.memory_space<vmem>>, vector<16xi32>,
      %add3A_36 = arith.constant 48 : i32
      %add3A_37 = vector.broadcast %add3A_36 : i32 to vector<16xi32>
      %add3A_38 = arith.addi %iota3A, %add3A_37 : vector<16xi32>
      %gather3A_39 = tpu.vector_load_idx %arg6[%add3A_38, %add3A_13] : memref<128x200xi32, #tpu.memory_space<vmem>>[vector<16xi32>, vector<16xi32>], vector<16xi32>,
      %gather3A_40 = tpu.vector_load_idx %arg5[%gather3A_39] : memref<1000xi32, #tpu.memory_space<vmem>>[vector<16xi32>], vector<16xi32>,
      %swap3A_41 = arith.index_cast %scan3A_8 : i32 to index
      %swap3A_42 = arith.constant 48 : index
      %swap3A_43 = tpu.vector_load %arg7[%swap3A_41, %swap3A_42] {strides = array<i32>} : memref<72x128xi32, #tpu.memory_space<vmem>>, vector<16xi32>,
      tpu.vector_store %arg7[%swap3A_41, %swap3A_42], %gather3A_40 {strides = array<i32>} : memref<72x128xi32, #tpu.memory_space<vmem>>, vector<16xi32>,
      %add3A_44 = arith.constant 64 : i32
      %add3A_45 = vector.broadcast %add3A_44 : i32 to vector<16xi32>
      %add3A_46 = arith.addi %iota3A, %add3A_45 : vector<16xi32>
      %gather3A_47 = tpu.vector_load_idx %arg6[%add3A_46, %add3A_13] : memref<128x200xi32, #tpu.memory_space<vmem>>[vector<16xi32>, vector<16xi32>], vector<16xi32>,
      %gather3A_48 = tpu.vector_load_idx %arg5[%gather3A_47] : memref<1000xi32, #tpu.memory_space<vmem>>[vector<16xi32>], vector<16xi32>,
      %swap3A_49 = arith.index_cast %scan3A_8 : i32 to index
      %swap3A_50 = arith.constant 64 : index
      %swap3A_51 = tpu.vector_load %arg7[%swap3A_49, %swap3A_50] {strides = array<i32>} : memref<72x128xi32, #tpu.memory_space<vmem>>, vector<16xi32>,
      tpu.vector_store %arg7[%swap3A_49, %swap3A_50], %gather3A_48 {strides = array<i32>} : memref<72x128xi32, #tpu.memory_space<vmem>>, vector<16xi32>,
      %add3A_52 = arith.constant 80 : i32
      %add3A_53 = vector.broadcast %add3A_52 : i32 to vector<16xi32>
      %add3A_54 = arith.addi %iota3A, %add3A_53 : vector<16xi32>
      %gather3A_55 = tpu.vector_load_idx %arg6[%add3A_54, %add3A_13] : memref<128x200xi32, #tpu.memory_space<vmem>>[vector<16xi32>, vector<16xi32>], vector<16xi32>,
      %gather3A_56 = tpu.vector_load_idx %arg5[%gather3A_55] : memref<1000xi32, #tpu.memory_space<vmem>>[vector<16xi32>], vector<16xi32>,
      %swap3A_57 = arith.index_cast %scan3A_8 : i32 to index
      %swap3A_58 = arith.constant 80 : index
      %swap3A_59 = tpu.vector_load %arg7[%swap3A_57, %swap3A_58] {strides = array<i32>} : memref<72x128xi32, #tpu.memory_space<vmem>>, vector<16xi32>,
      tpu.vector_store %arg7[%swap3A_57, %swap3A_58], %gather3A_56 {strides = array<i32>} : memref<72x128xi32, #tpu.memory_space<vmem>>, vector<16xi32>,
      %add3A_60 = arith.constant 96 : i32
      %add3A_61 = vector.broadcast %add3A_60 : i32 to vector<16xi32>
      %add3A_62 = arith.addi %iota3A, %add3A_61 : vector<16xi32>
      %gather3A_63 = tpu.vector_load_idx %arg6[%add3A_62, %add3A_13] : memref<128x200xi32, #tpu.memory_space<vmem>>[vector<16xi32>, vector<16xi32>], vector<16xi32>,
      %gather3A_64 = tpu.vector_load_idx %arg5[%gather3A_63] : memref<1000xi32, #tpu.memory_space<vmem>>[vector<16xi32>], vector<16xi32>,
      %swap3A_65 = arith.index_cast %scan3A_8 : i32 to index
      %swap3A_66 = arith.constant 96 : index
      %swap3A_67 = tpu.vector_load %arg7[%swap3A_65, %swap3A_66] {strides = array<i32>} : memref<72x128xi32, #tpu.memory_space<vmem>>, vector<16xi32>,
      tpu.vector_store %arg7[%swap3A_65, %swap3A_66], %gather3A_64 {strides = array<i32>} : memref<72x128xi32, #tpu.memory_space<vmem>>, vector<16xi32>,
      %add3A_68 = arith.constant 112 : i32
      %add3A_69 = vector.broadcast %add3A_68 : i32 to vector<16xi32>
      %add3A_70 = arith.addi %iota3A, %add3A_69 : vector<16xi32>
      %gather3A_71 = tpu.vector_load_idx %arg6[%add3A_70, %add3A_13] : memref<128x200xi32, #tpu.memory_space<vmem>>[vector<16xi32>, vector<16xi32>], vector<16xi32>,
      %gather3A_72 = tpu.vector_load_idx %arg5[%gather3A_71] : memref<1000xi32, #tpu.memory_space<vmem>>[vector<16xi32>], vector<16xi32>,
      %swap3A_73 = arith.index_cast %scan3A_8 : i32 to index
      %swap3A_74 = arith.constant 112 : index
      %swap3A_75 = tpu.vector_load %arg7[%swap3A_73, %swap3A_74] {strides = array<i32>} : memref<72x128xi32, #tpu.memory_space<vmem>>, vector<16xi32>,
      tpu.vector_store %arg7[%swap3A_73, %swap3A_74], %gather3A_72 {strides = array<i32>} : memref<72x128xi32, #tpu.memory_space<vmem>>, vector<16xi32>,
    }
    %scan3A_7 = arith.constant 72 : i32
    "tpu.region"() ({
      %run_scoped3A = tpu.sem_alloc : memref<!tpu.dma_semaphore, #tpu.memory_space<semaphore_mem>>
      %dma_start3A = arith.constant 0 : i32
      %dma_start3A_8 = tpu.memref_slice %arg4[%dma_start3A, %multiple_of3A] : memref<72x4096xi32, #tpu.memory_space<hbm>> -> memref<72x128xi32, #tpu.memory_space<hbm>>
      %dma_start3A_9 = arith.constant 0 : i32
      %dma_start3A_10 = tpu.memref_slice %arg4[%dma_start3A_9, %multiple_of3A] : memref<72x4096xi32, #tpu.memory_space<hbm>> -> memref<72x128xi32, #tpu.memory_space<hbm>>
      tpu.enqueue_dma source(%arg7 : memref<72x128xi32, #tpu.memory_space<vmem>>) target(%dma_start3A_10 : memref<72x128xi32, #tpu.memory_space<hbm>>) target_semaphore(%run_scoped3A : memref<!tpu.dma_semaphore, #tpu.memory_space<semaphore_mem>>)
      %dma_wait3A = arith.constant 0 : i32
      %dma_wait3A_11 = tpu.memref_slice %arg4[%dma_wait3A, %multiple_of3A] : memref<72x4096xi32, #tpu.memory_space<hbm>> -> memref<72x128xi32, #tpu.memory_space<hbm>>
      %dma_wait3A_12 = arith.constant 0 : i32
      %dma_wait3A_13 = tpu.memref_slice %arg4[%dma_wait3A_12, %multiple_of3A] : memref<72x4096xi32, #tpu.memory_space<hbm>> -> memref<72x128xi32, #tpu.memory_space<hbm>>
      tpu.wait_dma2 semaphore(%run_scoped3A : memref<!tpu.dma_semaphore, #tpu.memory_space<semaphore_mem>>) src(%arg7 : memref<72x128xi32, #tpu.memory_space<vmem>>) dst(%dma_wait3A_13 : memref<72x128xi32, #tpu.memory_space<hbm>>)
      tpu.yield
    }) : () -> ()
    return
  }
}

#map = affine_map<(d0, d1) -> (0, 0)>
#map1 = affine_map<(d0, d1) -> (0)>
module attributes {stable_mosaic.version = 14 : i64} {
  func.func @_cls_body(%arg0: i32, %arg1: i32, %arg2: memref<4096x200xi32, #tpu.memory_space<hbm>>, %arg3: memref<1000xi32, #tpu.memory_space<hbm>>, %arg4: memref<128x4096xi32, #tpu.memory_space<hbm>>, %arg5: memref<1000xi32, #tpu.memory_space<vmem>>, %arg6: memref<128x200xi32, #tpu.memory_space<vmem>>, %arg7: memref<128x128xi32, #tpu.memory_space<vmem>>) attributes {dimension_semantics = [#tpu.dimension_semantics<core_parallel>, #tpu.dimension_semantics<subcore_parallel>], iteration_bounds = array<i64: 2, 16>, scalar_prefetch = 0 : i64, scratch_operands = 3 : i64, tpu.core_type = #tpu.core_type<sc_vector_subcore>, window_params = [{transform_indices = #map}, {transform_indices = #map1}, {transform_indices = #map}]} {
    %mul3A = arith.constant 2 : i32
    %mul3A_0 = arith.muli %arg1, %mul3A : i32
    %add3A = arith.addi %mul3A_0, %arg0 : i32
    %mul3A_1 = arith.constant 128 : i32
    %mul3A_2 = arith.muli %add3A, %mul3A_1 : i32
    %multiple_of3A = tpu.assume_multiple %mul3A_2, 128 : i32
    "tpu.region"() ({
      %run_scoped3A = tpu.sem_alloc : memref<!tpu.dma_semaphore, #tpu.memory_space<semaphore_mem>>
      tpu.enqueue_dma source(%arg3 : memref<1000xi32, #tpu.memory_space<hbm>>) target(%arg5 : memref<1000xi32, #tpu.memory_space<vmem>>) target_semaphore(%run_scoped3A : memref<!tpu.dma_semaphore, #tpu.memory_space<semaphore_mem>>)
      tpu.wait_dma2 semaphore(%run_scoped3A : memref<!tpu.dma_semaphore, #tpu.memory_space<semaphore_mem>>) src(%arg3 : memref<1000xi32, #tpu.memory_space<hbm>>) dst(%arg5 : memref<1000xi32, #tpu.memory_space<vmem>>)
      tpu.yield
    }) : () -> ()
    "tpu.region"() ({
      %run_scoped3A = tpu.sem_alloc : memref<!tpu.dma_semaphore, #tpu.memory_space<semaphore_mem>>
      %dma_start3A = arith.constant 0 : i32
      %dma_start3A_8 = tpu.memref_slice %arg2[%multiple_of3A, %dma_start3A] : memref<4096x200xi32, #tpu.memory_space<hbm>> -> memref<128x200xi32, #tpu.memory_space<hbm>>
      %dma_start3A_9 = arith.constant 0 : i32
      %dma_start3A_10 = tpu.memref_slice %arg2[%multiple_of3A, %dma_start3A_9] : memref<4096x200xi32, #tpu.memory_space<hbm>> -> memref<128x200xi32, #tpu.memory_space<hbm>>
      tpu.enqueue_dma source(%dma_start3A_10 : memref<128x200xi32, #tpu.memory_space<hbm>>) target(%arg6 : memref<128x200xi32, #tpu.memory_space<vmem>>) target_semaphore(%run_scoped3A : memref<!tpu.dma_semaphore, #tpu.memory_space<semaphore_mem>>)
      %dma_wait3A = arith.constant 0 : i32
      %dma_wait3A_11 = tpu.memref_slice %arg2[%multiple_of3A, %dma_wait3A] : memref<4096x200xi32, #tpu.memory_space<hbm>> -> memref<128x200xi32, #tpu.memory_space<hbm>>
      %dma_wait3A_12 = arith.constant 0 : i32
      %dma_wait3A_13 = tpu.memref_slice %arg2[%multiple_of3A, %dma_wait3A_12] : memref<4096x200xi32, #tpu.memory_space<hbm>> -> memref<128x200xi32, #tpu.memory_space<hbm>>
      tpu.wait_dma2 semaphore(%run_scoped3A : memref<!tpu.dma_semaphore, #tpu.memory_space<semaphore_mem>>) src(%dma_wait3A_13 : memref<128x200xi32, #tpu.memory_space<hbm>>) dst(%arg6 : memref<128x200xi32, #tpu.memory_space<vmem>>)
      tpu.yield
    }) : () -> ()
    %iota3A = tpu.iota {dimensions = array<i32: 0>} : vector<16xi32>
    %scan3A = arith.constant 0 : i32
    %scan3A_3 = arith.constant 0 : i32
    %scan3A_4 = arith.constant 128 : i32
    %scan3A_5 = arith.addi %scan3A_3, %scan3A_4 : i32
    %scan3A_6 = arith.constant 1 : i32
    scf.for %scan3A_8 = %scan3A_3 to %scan3A_5 step %scan3A_6  : i32 {
      %broadcast_in_dim3A = arith.constant 0 : i32
      %broadcast_in_dim3A_9 = vector.broadcast %broadcast_in_dim3A : i32 to vector<16xi32>
      %add3A_10 = arith.constant 72 : i32
      %add3A_11 = arith.addi %add3A_10, %scan3A_8 : i32
      %add3A_12 = vector.broadcast %add3A_11 : i32 to vector<16xi32>
      %add3A_13 = arith.addi %broadcast_in_dim3A_9, %add3A_12 : vector<16xi32>
      %add3A_14 = arith.constant 0 : i32
      %add3A_15 = vector.broadcast %add3A_14 : i32 to vector<16xi32>
      %add3A_16 = arith.addi %iota3A, %add3A_15 : vector<16xi32>
      %gather3A = tpu.vector_load_idx %arg6[%add3A_16, %add3A_13] : memref<128x200xi32, #tpu.memory_space<vmem>>[vector<16xi32>, vector<16xi32>], vector<16xi32>,
      %gather3A_17 = tpu.vector_load_idx %arg5[%gather3A] : memref<1000xi32, #tpu.memory_space<vmem>>[vector<16xi32>], vector<16xi32>,
      %swap3A = arith.index_cast %scan3A_8 : i32 to index
      %swap3A_18 = arith.constant 0 : index
      %swap3A_19 = tpu.vector_load %arg7[%swap3A, %swap3A_18] {strides = array<i32>} : memref<128x128xi32, #tpu.memory_space<vmem>>, vector<16xi32>,
      tpu.vector_store %arg7[%swap3A, %swap3A_18], %gather3A_17 {strides = array<i32>} : memref<128x128xi32, #tpu.memory_space<vmem>>, vector<16xi32>,
      %add3A_20 = arith.constant 16 : i32
      %add3A_21 = vector.broadcast %add3A_20 : i32 to vector<16xi32>
      %add3A_22 = arith.addi %iota3A, %add3A_21 : vector<16xi32>
      %gather3A_23 = tpu.vector_load_idx %arg6[%add3A_22, %add3A_13] : memref<128x200xi32, #tpu.memory_space<vmem>>[vector<16xi32>, vector<16xi32>], vector<16xi32>,
      %gather3A_24 = tpu.vector_load_idx %arg5[%gather3A_23] : memref<1000xi32, #tpu.memory_space<vmem>>[vector<16xi32>], vector<16xi32>,
      %swap3A_25 = arith.index_cast %scan3A_8 : i32 to index
      %swap3A_26 = arith.constant 16 : index
      %swap3A_27 = tpu.vector_load %arg7[%swap3A_25, %swap3A_26] {strides = array<i32>} : memref<128x128xi32, #tpu.memory_space<vmem>>, vector<16xi32>,
      tpu.vector_store %arg7[%swap3A_25, %swap3A_26], %gather3A_24 {strides = array<i32>} : memref<128x128xi32, #tpu.memory_space<vmem>>, vector<16xi32>,
      %add3A_28 = arith.constant 32 : i32
      %add3A_29 = vector.broadcast %add3A_28 : i32 to vector<16xi32>
      %add3A_30 = arith.addi %iota3A, %add3A_29 : vector<16xi32>
      %gather3A_31 = tpu.vector_load_idx %arg6[%add3A_30, %add3A_13] : memref<128x200xi32, #tpu.memory_space<vmem>>[vector<16xi32>, vector<16xi32>], vector<16xi32>,
      %gather3A_32 = tpu.vector_load_idx %arg5[%gather3A_31] : memref<1000xi32, #tpu.memory_space<vmem>>[vector<16xi32>], vector<16xi32>,
      %swap3A_33 = arith.index_cast %scan3A_8 : i32 to index
      %swap3A_34 = arith.constant 32 : index
      %swap3A_35 = tpu.vector_load %arg7[%swap3A_33, %swap3A_34] {strides = array<i32>} : memref<128x128xi32, #tpu.memory_space<vmem>>, vector<16xi32>,
      tpu.vector_store %arg7[%swap3A_33, %swap3A_34], %gather3A_32 {strides = array<i32>} : memref<128x128xi32, #tpu.memory_space<vmem>>, vector<16xi32>,
      %add3A_36 = arith.constant 48 : i32
      %add3A_37 = vector.broadcast %add3A_36 : i32 to vector<16xi32>
      %add3A_38 = arith.addi %iota3A, %add3A_37 : vector<16xi32>
      %gather3A_39 = tpu.vector_load_idx %arg6[%add3A_38, %add3A_13] : memref<128x200xi32, #tpu.memory_space<vmem>>[vector<16xi32>, vector<16xi32>], vector<16xi32>,
      %gather3A_40 = tpu.vector_load_idx %arg5[%gather3A_39] : memref<1000xi32, #tpu.memory_space<vmem>>[vector<16xi32>], vector<16xi32>,
      %swap3A_41 = arith.index_cast %scan3A_8 : i32 to index
      %swap3A_42 = arith.constant 48 : index
      %swap3A_43 = tpu.vector_load %arg7[%swap3A_41, %swap3A_42] {strides = array<i32>} : memref<128x128xi32, #tpu.memory_space<vmem>>, vector<16xi32>,
      tpu.vector_store %arg7[%swap3A_41, %swap3A_42], %gather3A_40 {strides = array<i32>} : memref<128x128xi32, #tpu.memory_space<vmem>>, vector<16xi32>,
      %add3A_44 = arith.constant 64 : i32
      %add3A_45 = vector.broadcast %add3A_44 : i32 to vector<16xi32>
      %add3A_46 = arith.addi %iota3A, %add3A_45 : vector<16xi32>
      %gather3A_47 = tpu.vector_load_idx %arg6[%add3A_46, %add3A_13] : memref<128x200xi32, #tpu.memory_space<vmem>>[vector<16xi32>, vector<16xi32>], vector<16xi32>,
      %gather3A_48 = tpu.vector_load_idx %arg5[%gather3A_47] : memref<1000xi32, #tpu.memory_space<vmem>>[vector<16xi32>], vector<16xi32>,
      %swap3A_49 = arith.index_cast %scan3A_8 : i32 to index
      %swap3A_50 = arith.constant 64 : index
      %swap3A_51 = tpu.vector_load %arg7[%swap3A_49, %swap3A_50] {strides = array<i32>} : memref<128x128xi32, #tpu.memory_space<vmem>>, vector<16xi32>,
      tpu.vector_store %arg7[%swap3A_49, %swap3A_50], %gather3A_48 {strides = array<i32>} : memref<128x128xi32, #tpu.memory_space<vmem>>, vector<16xi32>,
      %add3A_52 = arith.constant 80 : i32
      %add3A_53 = vector.broadcast %add3A_52 : i32 to vector<16xi32>
      %add3A_54 = arith.addi %iota3A, %add3A_53 : vector<16xi32>
      %gather3A_55 = tpu.vector_load_idx %arg6[%add3A_54, %add3A_13] : memref<128x200xi32, #tpu.memory_space<vmem>>[vector<16xi32>, vector<16xi32>], vector<16xi32>,
      %gather3A_56 = tpu.vector_load_idx %arg5[%gather3A_55] : memref<1000xi32, #tpu.memory_space<vmem>>[vector<16xi32>], vector<16xi32>,
      %swap3A_57 = arith.index_cast %scan3A_8 : i32 to index
      %swap3A_58 = arith.constant 80 : index
      %swap3A_59 = tpu.vector_load %arg7[%swap3A_57, %swap3A_58] {strides = array<i32>} : memref<128x128xi32, #tpu.memory_space<vmem>>, vector<16xi32>,
      tpu.vector_store %arg7[%swap3A_57, %swap3A_58], %gather3A_56 {strides = array<i32>} : memref<128x128xi32, #tpu.memory_space<vmem>>, vector<16xi32>,
      %add3A_60 = arith.constant 96 : i32
      %add3A_61 = vector.broadcast %add3A_60 : i32 to vector<16xi32>
      %add3A_62 = arith.addi %iota3A, %add3A_61 : vector<16xi32>
      %gather3A_63 = tpu.vector_load_idx %arg6[%add3A_62, %add3A_13] : memref<128x200xi32, #tpu.memory_space<vmem>>[vector<16xi32>, vector<16xi32>], vector<16xi32>,
      %gather3A_64 = tpu.vector_load_idx %arg5[%gather3A_63] : memref<1000xi32, #tpu.memory_space<vmem>>[vector<16xi32>], vector<16xi32>,
      %swap3A_65 = arith.index_cast %scan3A_8 : i32 to index
      %swap3A_66 = arith.constant 96 : index
      %swap3A_67 = tpu.vector_load %arg7[%swap3A_65, %swap3A_66] {strides = array<i32>} : memref<128x128xi32, #tpu.memory_space<vmem>>, vector<16xi32>,
      tpu.vector_store %arg7[%swap3A_65, %swap3A_66], %gather3A_64 {strides = array<i32>} : memref<128x128xi32, #tpu.memory_space<vmem>>, vector<16xi32>,
      %add3A_68 = arith.constant 112 : i32
      %add3A_69 = vector.broadcast %add3A_68 : i32 to vector<16xi32>
      %add3A_70 = arith.addi %iota3A, %add3A_69 : vector<16xi32>
      %gather3A_71 = tpu.vector_load_idx %arg6[%add3A_70, %add3A_13] : memref<128x200xi32, #tpu.memory_space<vmem>>[vector<16xi32>, vector<16xi32>], vector<16xi32>,
      %gather3A_72 = tpu.vector_load_idx %arg5[%gather3A_71] : memref<1000xi32, #tpu.memory_space<vmem>>[vector<16xi32>], vector<16xi32>,
      %swap3A_73 = arith.index_cast %scan3A_8 : i32 to index
      %swap3A_74 = arith.constant 112 : index
      %swap3A_75 = tpu.vector_load %arg7[%swap3A_73, %swap3A_74] {strides = array<i32>} : memref<128x128xi32, #tpu.memory_space<vmem>>, vector<16xi32>,
      tpu.vector_store %arg7[%swap3A_73, %swap3A_74], %gather3A_72 {strides = array<i32>} : memref<128x128xi32, #tpu.memory_space<vmem>>, vector<16xi32>,
    }
    %scan3A_7 = arith.constant 128 : i32
    "tpu.region"() ({
      %run_scoped3A = tpu.sem_alloc : memref<!tpu.dma_semaphore, #tpu.memory_space<semaphore_mem>>
      %dma_start3A = arith.constant 0 : i32
      %dma_start3A_8 = tpu.memref_slice %arg4[%dma_start3A, %multiple_of3A] : memref<128x4096xi32, #tpu.memory_space<hbm>> -> memref<128x128xi32, #tpu.memory_space<hbm>>
      %dma_start3A_9 = arith.constant 0 : i32
      %dma_start3A_10 = tpu.memref_slice %arg4[%dma_start3A_9, %multiple_of3A] : memref<128x4096xi32, #tpu.memory_space<hbm>> -> memref<128x128xi32, #tpu.memory_space<hbm>>
      tpu.enqueue_dma source(%arg7 : memref<128x128xi32, #tpu.memory_space<vmem>>) target(%dma_start3A_10 : memref<128x128xi32, #tpu.memory_space<hbm>>) target_semaphore(%run_scoped3A : memref<!tpu.dma_semaphore, #tpu.memory_space<semaphore_mem>>)
      %dma_wait3A = arith.constant 0 : i32
      %dma_wait3A_11 = tpu.memref_slice %arg4[%dma_wait3A, %multiple_of3A] : memref<128x4096xi32, #tpu.memory_space<hbm>> -> memref<128x128xi32, #tpu.memory_space<hbm>>
      %dma_wait3A_12 = arith.constant 0 : i32
      %dma_wait3A_13 = tpu.memref_slice %arg4[%dma_wait3A_12, %multiple_of3A] : memref<128x4096xi32, #tpu.memory_space<hbm>> -> memref<128x128xi32, #tpu.memory_space<hbm>>
      tpu.wait_dma2 semaphore(%run_scoped3A : memref<!tpu.dma_semaphore, #tpu.memory_space<semaphore_mem>>) src(%arg7 : memref<128x128xi32, #tpu.memory_space<vmem>>) dst(%dma_wait3A_13 : memref<128x128xi32, #tpu.memory_space<hbm>>)
      tpu.yield
    }) : () -> ()
    return
  }
}

module attributes {stable_mosaic.version = 14 : i64} {
  func.func @_expand_kernel(%arg0: i32, %arg1: memref<8x4096xi32, #tpu.memory_space<vmem>>, %arg2: memref<50x64xf32, #tpu.memory_space<vmem>>, %arg3: memref<8x64x4096xf32, #tpu.memory_space<vmem>>) attributes {dimension_semantics = [#tpu.dimension_semantics<arbitrary>], iteration_bounds = array<i64: 9>, scalar_prefetch = 0 : i64, scratch_operands = 0 : i64, tpu.core_type = #tpu.core_type<tc>, window_params = [{transform_indices = @transform_0, window_bounds = array<i64: 8, 4096>}, {pipeline_mode = #tpu.pipeline_mode<synchronous>, transform_indices = @transform_1, window_bounds = array<i64: 50, 64>}, {transform_indices = @transform_2, window_bounds = array<i64: 8, 64, 4096>}]} {
    %iota3A = tpu.iota {dimensions = array<i32: 0>} : vector<50x4096xi32>
    %get3A = arith.constant 0 : index
    %get3A_0 = arith.constant 0 : index
    %get3A_1 = vector.load %arg2[%get3A, %get3A_0] : memref<50x64xf32, #tpu.memory_space<vmem>>, vector<50x64xf32>
    %convert_element_type3A = arith.truncf %get3A_1 : vector<50x64xf32> to vector<50x64xbf16>
    %convert_element_type3A_2 = arith.extf %convert_element_type3A : vector<50x64xbf16> to vector<50x64xf32>
    %sub3A = arith.subf %get3A_1, %convert_element_type3A_2 : vector<50x64xf32>
    %get3A_3 = arith.constant 0 : index
    %get3A_4 = arith.constant 0 : index
    %get3A_5 = vector.load %arg1[%get3A_3, %get3A_4] : memref<8x4096xi32, #tpu.memory_space<vmem>>, vector<1x4096xi32>
    %get3A_6 = vector.shape_cast %get3A_5 : vector<1x4096xi32> to vector<4096xi32>
    %reshape3A = vector.shape_cast %get3A_6 : vector<4096xi32> to vector<1x4096xi32>
    %eq3A = vector.broadcast %reshape3A : vector<1x4096xi32> to vector<50x4096xi32>
    %eq3A_7 = arith.cmpi eq, %iota3A, %eq3A : vector<50x4096xi32>
    %jit3A = arith.constant 1.000000e+00 : f32
    %jit3A_8 = arith.constant 0.000000e+00 : f32
    %broadcast_in_dim3A = vector.broadcast %jit3A : f32 to vector<50x4096xf32>
    %broadcast_in_dim3A_9 = vector.broadcast %jit3A_8 : f32 to vector<50x4096xf32>
    %select_n3A = arith.select %eq3A_7, %broadcast_in_dim3A, %broadcast_in_dim3A_9 : vector<50x4096xi1>, vector<50x4096xf32>
    %dot_general3A = arith.constant dense<0.000000e+00> : vector<64x4096xf32>
    %dot_general3A_10 = tpu.matmul %convert_element_type3A_2, %select_n3A, %dot_general3A {dimension_numbers = #tpu.dot_dimension_numbers<[0], [0], [1], [1], [0, 1, 1, 1], [], []>, transpose_lhs_hint = false} : vector<50x64xf32>, vector<50x4096xf32>, vector<64x4096xf32> -> vector<64x4096xf32>
    %dot_general3A_11 = arith.constant dense<0.000000e+00> : vector<64x4096xf32>
    %dot_general3A_12 = tpu.matmul %sub3A, %select_n3A, %dot_general3A_11 {dimension_numbers = #tpu.dot_dimension_numbers<[0], [0], [1], [1], [0, 1, 1, 1], [], []>, transpose_lhs_hint = false} : vector<50x64xf32>, vector<50x4096xf32>, vector<64x4096xf32> -> vector<64x4096xf32>
    %add3A = arith.addf %dot_general3A_10, %dot_general3A_12 : vector<64x4096xf32>
    %swap3A = arith.constant 0 : index
    %swap3A_13 = arith.constant 0 : index
    %swap3A_14 = arith.constant 0 : index
    %swap3A_15 = vector.load %arg3[%swap3A, %swap3A_13, %swap3A_14] : memref<8x64x4096xf32, #tpu.memory_space<vmem>>, vector<1x64x4096xf32>
    %swap3A_16 = vector.shape_cast %swap3A_15 : vector<1x64x4096xf32> to vector<64x4096xf32>
    %swap3A_17 = vector.shape_cast %add3A : vector<64x4096xf32> to vector<1x64x4096xf32>
    tpu.vector_store %arg3[%swap3A, %swap3A_13, %swap3A_14], %swap3A_17 {strides = array<i32>} : memref<8x64x4096xf32, #tpu.memory_space<vmem>>, vector<1x64x4096xf32>,
    %get3A_18 = arith.constant 1 : index
    %get3A_19 = arith.constant 0 : index
    %get3A_20 = vector.load %arg1[%get3A_18, %get3A_19] : memref<8x4096xi32, #tpu.memory_space<vmem>>, vector<1x4096xi32>
    %get3A_21 = vector.shape_cast %get3A_20 : vector<1x4096xi32> to vector<4096xi32>
    %reshape3A_22 = vector.shape_cast %get3A_21 : vector<4096xi32> to vector<1x4096xi32>
    %eq3A_23 = vector.broadcast %reshape3A_22 : vector<1x4096xi32> to vector<50x4096xi32>
    %eq3A_24 = arith.cmpi eq, %iota3A, %eq3A_23 : vector<50x4096xi32>
    %jit3A_25 = arith.constant 1.000000e+00 : f32
    %jit3A_26 = arith.constant 0.000000e+00 : f32
    %broadcast_in_dim3A_27 = vector.broadcast %jit3A_25 : f32 to vector<50x4096xf32>
    %broadcast_in_dim3A_28 = vector.broadcast %jit3A_26 : f32 to vector<50x4096xf32>
    %select_n3A_29 = arith.select %eq3A_24, %broadcast_in_dim3A_27, %broadcast_in_dim3A_28 : vector<50x4096xi1>, vector<50x4096xf32>
    %dot_general3A_30 = arith.constant dense<0.000000e+00> : vector<64x4096xf32>
    %dot_general3A_31 = tpu.matmul %convert_element_type3A_2, %select_n3A_29, %dot_general3A_30 {dimension_numbers = #tpu.dot_dimension_numbers<[0], [0], [1], [1], [0, 1, 1, 1], [], []>, transpose_lhs_hint = false} : vector<50x64xf32>, vector<50x4096xf32>, vector<64x4096xf32> -> vector<64x4096xf32>
    %dot_general3A_32 = arith.constant dense<0.000000e+00> : vector<64x4096xf32>
    %dot_general3A_33 = tpu.matmul %sub3A, %select_n3A_29, %dot_general3A_32 {dimension_numbers = #tpu.dot_dimension_numbers<[0], [0], [1], [1], [0, 1, 1, 1], [], []>, transpose_lhs_hint = false} : vector<50x64xf32>, vector<50x4096xf32>, vector<64x4096xf32> -> vector<64x4096xf32>
    %add3A_34 = arith.addf %dot_general3A_31, %dot_general3A_33 : vector<64x4096xf32>
    %swap3A_35 = arith.constant 1 : index
    %swap3A_36 = arith.constant 0 : index
    %swap3A_37 = arith.constant 0 : index
    %swap3A_38 = vector.load %arg3[%swap3A_35, %swap3A_36, %swap3A_37] : memref<8x64x4096xf32, #tpu.memory_space<vmem>>, vector<1x64x4096xf32>
    %swap3A_39 = vector.shape_cast %swap3A_38 : vector<1x64x4096xf32> to vector<64x4096xf32>
    %swap3A_40 = vector.shape_cast %add3A_34 : vector<64x4096xf32> to vector<1x64x4096xf32>
    tpu.vector_store %arg3[%swap3A_35, %swap3A_36, %swap3A_37], %swap3A_40 {strides = array<i32>} : memref<8x64x4096xf32, #tpu.memory_space<vmem>>, vector<1x64x4096xf32>,
    %get3A_41 = arith.constant 2 : index
    %get3A_42 = arith.constant 0 : index
    %get3A_43 = vector.load %arg1[%get3A_41, %get3A_42] : memref<8x4096xi32, #tpu.memory_space<vmem>>, vector<1x4096xi32>
    %get3A_44 = vector.shape_cast %get3A_43 : vector<1x4096xi32> to vector<4096xi32>
    %reshape3A_45 = vector.shape_cast %get3A_44 : vector<4096xi32> to vector<1x4096xi32>
    %eq3A_46 = vector.broadcast %reshape3A_45 : vector<1x4096xi32> to vector<50x4096xi32>
    %eq3A_47 = arith.cmpi eq, %iota3A, %eq3A_46 : vector<50x4096xi32>
    %jit3A_48 = arith.constant 1.000000e+00 : f32
    %jit3A_49 = arith.constant 0.000000e+00 : f32
    %broadcast_in_dim3A_50 = vector.broadcast %jit3A_48 : f32 to vector<50x4096xf32>
    %broadcast_in_dim3A_51 = vector.broadcast %jit3A_49 : f32 to vector<50x4096xf32>
    %select_n3A_52 = arith.select %eq3A_47, %broadcast_in_dim3A_50, %broadcast_in_dim3A_51 : vector<50x4096xi1>, vector<50x4096xf32>
    %dot_general3A_53 = arith.constant dense<0.000000e+00> : vector<64x4096xf32>
    %dot_general3A_54 = tpu.matmul %convert_element_type3A_2, %select_n3A_52, %dot_general3A_53 {dimension_numbers = #tpu.dot_dimension_numbers<[0], [0], [1], [1], [0, 1, 1, 1], [], []>, transpose_lhs_hint = false} : vector<50x64xf32>, vector<50x4096xf32>, vector<64x4096xf32> -> vector<64x4096xf32>
    %dot_general3A_55 = arith.constant dense<0.000000e+00> : vector<64x4096xf32>
    %dot_general3A_56 = tpu.matmul %sub3A, %select_n3A_52, %dot_general3A_55 {dimension_numbers = #tpu.dot_dimension_numbers<[0], [0], [1], [1], [0, 1, 1, 1], [], []>, transpose_lhs_hint = false} : vector<50x64xf32>, vector<50x4096xf32>, vector<64x4096xf32> -> vector<64x4096xf32>
    %add3A_57 = arith.addf %dot_general3A_54, %dot_general3A_56 : vector<64x4096xf32>
    %swap3A_58 = arith.constant 2 : index
    %swap3A_59 = arith.constant 0 : index
    %swap3A_60 = arith.constant 0 : index
    %swap3A_61 = vector.load %arg3[%swap3A_58, %swap3A_59, %swap3A_60] : memref<8x64x4096xf32, #tpu.memory_space<vmem>>, vector<1x64x4096xf32>
    %swap3A_62 = vector.shape_cast %swap3A_61 : vector<1x64x4096xf32> to vector<64x4096xf32>
    %swap3A_63 = vector.shape_cast %add3A_57 : vector<64x4096xf32> to vector<1x64x4096xf32>
    tpu.vector_store %arg3[%swap3A_58, %swap3A_59, %swap3A_60], %swap3A_63 {strides = array<i32>} : memref<8x64x4096xf32, #tpu.memory_space<vmem>>, vector<1x64x4096xf32>,
    %get3A_64 = arith.constant 3 : index
    %get3A_65 = arith.constant 0 : index
    %get3A_66 = vector.load %arg1[%get3A_64, %get3A_65] : memref<8x4096xi32, #tpu.memory_space<vmem>>, vector<1x4096xi32>
    %get3A_67 = vector.shape_cast %get3A_66 : vector<1x4096xi32> to vector<4096xi32>
    %reshape3A_68 = vector.shape_cast %get3A_67 : vector<4096xi32> to vector<1x4096xi32>
    %eq3A_69 = vector.broadcast %reshape3A_68 : vector<1x4096xi32> to vector<50x4096xi32>
    %eq3A_70 = arith.cmpi eq, %iota3A, %eq3A_69 : vector<50x4096xi32>
    %jit3A_71 = arith.constant 1.000000e+00 : f32
    %jit3A_72 = arith.constant 0.000000e+00 : f32
    %broadcast_in_dim3A_73 = vector.broadcast %jit3A_71 : f32 to vector<50x4096xf32>
    %broadcast_in_dim3A_74 = vector.broadcast %jit3A_72 : f32 to vector<50x4096xf32>
    %select_n3A_75 = arith.select %eq3A_70, %broadcast_in_dim3A_73, %broadcast_in_dim3A_74 : vector<50x4096xi1>, vector<50x4096xf32>
    %dot_general3A_76 = arith.constant dense<0.000000e+00> : vector<64x4096xf32>
    %dot_general3A_77 = tpu.matmul %convert_element_type3A_2, %select_n3A_75, %dot_general3A_76 {dimension_numbers = #tpu.dot_dimension_numbers<[0], [0], [1], [1], [0, 1, 1, 1], [], []>, transpose_lhs_hint = false} : vector<50x64xf32>, vector<50x4096xf32>, vector<64x4096xf32> -> vector<64x4096xf32>
    %dot_general3A_78 = arith.constant dense<0.000000e+00> : vector<64x4096xf32>
    %dot_general3A_79 = tpu.matmul %sub3A, %select_n3A_75, %dot_general3A_78 {dimension_numbers = #tpu.dot_dimension_numbers<[0], [0], [1], [1], [0, 1, 1, 1], [], []>, transpose_lhs_hint = false} : vector<50x64xf32>, vector<50x4096xf32>, vector<64x4096xf32> -> vector<64x4096xf32>
    %add3A_80 = arith.addf %dot_general3A_77, %dot_general3A_79 : vector<64x4096xf32>
    %swap3A_81 = arith.constant 3 : index
    %swap3A_82 = arith.constant 0 : index
    %swap3A_83 = arith.constant 0 : index
    %swap3A_84 = vector.load %arg3[%swap3A_81, %swap3A_82, %swap3A_83] : memref<8x64x4096xf32, #tpu.memory_space<vmem>>, vector<1x64x4096xf32>
    %swap3A_85 = vector.shape_cast %swap3A_84 : vector<1x64x4096xf32> to vector<64x4096xf32>
    %swap3A_86 = vector.shape_cast %add3A_80 : vector<64x4096xf32> to vector<1x64x4096xf32>
    tpu.vector_store %arg3[%swap3A_81, %swap3A_82, %swap3A_83], %swap3A_86 {strides = array<i32>} : memref<8x64x4096xf32, #tpu.memory_space<vmem>>, vector<1x64x4096xf32>,
    %get3A_87 = arith.constant 4 : index
    %get3A_88 = arith.constant 0 : index
    %get3A_89 = vector.load %arg1[%get3A_87, %get3A_88] : memref<8x4096xi32, #tpu.memory_space<vmem>>, vector<1x4096xi32>
    %get3A_90 = vector.shape_cast %get3A_89 : vector<1x4096xi32> to vector<4096xi32>
    %reshape3A_91 = vector.shape_cast %get3A_90 : vector<4096xi32> to vector<1x4096xi32>
    %eq3A_92 = vector.broadcast %reshape3A_91 : vector<1x4096xi32> to vector<50x4096xi32>
    %eq3A_93 = arith.cmpi eq, %iota3A, %eq3A_92 : vector<50x4096xi32>
    %jit3A_94 = arith.constant 1.000000e+00 : f32
    %jit3A_95 = arith.constant 0.000000e+00 : f32
    %broadcast_in_dim3A_96 = vector.broadcast %jit3A_94 : f32 to vector<50x4096xf32>
    %broadcast_in_dim3A_97 = vector.broadcast %jit3A_95 : f32 to vector<50x4096xf32>
    %select_n3A_98 = arith.select %eq3A_93, %broadcast_in_dim3A_96, %broadcast_in_dim3A_97 : vector<50x4096xi1>, vector<50x4096xf32>
    %dot_general3A_99 = arith.constant dense<0.000000e+00> : vector<64x4096xf32>
    %dot_general3A_100 = tpu.matmul %convert_element_type3A_2, %select_n3A_98, %dot_general3A_99 {dimension_numbers = #tpu.dot_dimension_numbers<[0], [0], [1], [1], [0, 1, 1, 1], [], []>, transpose_lhs_hint = false} : vector<50x64xf32>, vector<50x4096xf32>, vector<64x4096xf32> -> vector<64x4096xf32>
    %dot_general3A_101 = arith.constant dense<0.000000e+00> : vector<64x4096xf32>
    %dot_general3A_102 = tpu.matmul %sub3A, %select_n3A_98, %dot_general3A_101 {dimension_numbers = #tpu.dot_dimension_numbers<[0], [0], [1], [1], [0, 1, 1, 1], [], []>, transpose_lhs_hint = false} : vector<50x64xf32>, vector<50x4096xf32>, vector<64x4096xf32> -> vector<64x4096xf32>
    %add3A_103 = arith.addf %dot_general3A_100, %dot_general3A_102 : vector<64x4096xf32>
    %swap3A_104 = arith.constant 4 : index
    %swap3A_105 = arith.constant 0 : index
    %swap3A_106 = arith.constant 0 : index
    %swap3A_107 = vector.load %arg3[%swap3A_104, %swap3A_105, %swap3A_106] : memref<8x64x4096xf32, #tpu.memory_space<vmem>>, vector<1x64x4096xf32>
    %swap3A_108 = vector.shape_cast %swap3A_107 : vector<1x64x4096xf32> to vector<64x4096xf32>
    %swap3A_109 = vector.shape_cast %add3A_103 : vector<64x4096xf32> to vector<1x64x4096xf32>
    tpu.vector_store %arg3[%swap3A_104, %swap3A_105, %swap3A_106], %swap3A_109 {strides = array<i32>} : memref<8x64x4096xf32, #tpu.memory_space<vmem>>, vector<1x64x4096xf32>,
    %get3A_110 = arith.constant 5 : index
    %get3A_111 = arith.constant 0 : index
    %get3A_112 = vector.load %arg1[%get3A_110, %get3A_111] : memref<8x4096xi32, #tpu.memory_space<vmem>>, vector<1x4096xi32>
    %get3A_113 = vector.shape_cast %get3A_112 : vector<1x4096xi32> to vector<4096xi32>
    %reshape3A_114 = vector.shape_cast %get3A_113 : vector<4096xi32> to vector<1x4096xi32>
    %eq3A_115 = vector.broadcast %reshape3A_114 : vector<1x4096xi32> to vector<50x4096xi32>
    %eq3A_116 = arith.cmpi eq, %iota3A, %eq3A_115 : vector<50x4096xi32>
    %jit3A_117 = arith.constant 1.000000e+00 : f32
    %jit3A_118 = arith.constant 0.000000e+00 : f32
    %broadcast_in_dim3A_119 = vector.broadcast %jit3A_117 : f32 to vector<50x4096xf32>
    %broadcast_in_dim3A_120 = vector.broadcast %jit3A_118 : f32 to vector<50x4096xf32>
    %select_n3A_121 = arith.select %eq3A_116, %broadcast_in_dim3A_119, %broadcast_in_dim3A_120 : vector<50x4096xi1>, vector<50x4096xf32>
    %dot_general3A_122 = arith.constant dense<0.000000e+00> : vector<64x4096xf32>
    %dot_general3A_123 = tpu.matmul %convert_element_type3A_2, %select_n3A_121, %dot_general3A_122 {dimension_numbers = #tpu.dot_dimension_numbers<[0], [0], [1], [1], [0, 1, 1, 1], [], []>, transpose_lhs_hint = false} : vector<50x64xf32>, vector<50x4096xf32>, vector<64x4096xf32> -> vector<64x4096xf32>
    %dot_general3A_124 = arith.constant dense<0.000000e+00> : vector<64x4096xf32>
    %dot_general3A_125 = tpu.matmul %sub3A, %select_n3A_121, %dot_general3A_124 {dimension_numbers = #tpu.dot_dimension_numbers<[0], [0], [1], [1], [0, 1, 1, 1], [], []>, transpose_lhs_hint = false} : vector<50x64xf32>, vector<50x4096xf32>, vector<64x4096xf32> -> vector<64x4096xf32>
    %add3A_126 = arith.addf %dot_general3A_123, %dot_general3A_125 : vector<64x4096xf32>
    %swap3A_127 = arith.constant 5 : index
    %swap3A_128 = arith.constant 0 : index
    %swap3A_129 = arith.constant 0 : index
    %swap3A_130 = vector.load %arg3[%swap3A_127, %swap3A_128, %swap3A_129] : memref<8x64x4096xf32, #tpu.memory_space<vmem>>, vector<1x64x4096xf32>
    %swap3A_131 = vector.shape_cast %swap3A_130 : vector<1x64x4096xf32> to vector<64x4096xf32>
    %swap3A_132 = vector.shape_cast %add3A_126 : vector<64x4096xf32> to vector<1x64x4096xf32>
    tpu.vector_store %arg3[%swap3A_127, %swap3A_128, %swap3A_129], %swap3A_132 {strides = array<i32>} : memref<8x64x4096xf32, #tpu.memory_space<vmem>>, vector<1x64x4096xf32>,
    %get3A_133 = arith.constant 6 : index
    %get3A_134 = arith.constant 0 : index
    %get3A_135 = vector.load %arg1[%get3A_133, %get3A_134] : memref<8x4096xi32, #tpu.memory_space<vmem>>, vector<1x4096xi32>
    %get3A_136 = vector.shape_cast %get3A_135 : vector<1x4096xi32> to vector<4096xi32>
    %reshape3A_137 = vector.shape_cast %get3A_136 : vector<4096xi32> to vector<1x4096xi32>
    %eq3A_138 = vector.broadcast %reshape3A_137 : vector<1x4096xi32> to vector<50x4096xi32>
    %eq3A_139 = arith.cmpi eq, %iota3A, %eq3A_138 : vector<50x4096xi32>
    %jit3A_140 = arith.constant 1.000000e+00 : f32
    %jit3A_141 = arith.constant 0.000000e+00 : f32
    %broadcast_in_dim3A_142 = vector.broadcast %jit3A_140 : f32 to vector<50x4096xf32>
    %broadcast_in_dim3A_143 = vector.broadcast %jit3A_141 : f32 to vector<50x4096xf32>
    %select_n3A_144 = arith.select %eq3A_139, %broadcast_in_dim3A_142, %broadcast_in_dim3A_143 : vector<50x4096xi1>, vector<50x4096xf32>
    %dot_general3A_145 = arith.constant dense<0.000000e+00> : vector<64x4096xf32>
    %dot_general3A_146 = tpu.matmul %convert_element_type3A_2, %select_n3A_144, %dot_general3A_145 {dimension_numbers = #tpu.dot_dimension_numbers<[0], [0], [1], [1], [0, 1, 1, 1], [], []>, transpose_lhs_hint = false} : vector<50x64xf32>, vector<50x4096xf32>, vector<64x4096xf32> -> vector<64x4096xf32>
    %dot_general3A_147 = arith.constant dense<0.000000e+00> : vector<64x4096xf32>
    %dot_general3A_148 = tpu.matmul %sub3A, %select_n3A_144, %dot_general3A_147 {dimension_numbers = #tpu.dot_dimension_numbers<[0], [0], [1], [1], [0, 1, 1, 1], [], []>, transpose_lhs_hint = false} : vector<50x64xf32>, vector<50x4096xf32>, vector<64x4096xf32> -> vector<64x4096xf32>
    %add3A_149 = arith.addf %dot_general3A_146, %dot_general3A_148 : vector<64x4096xf32>
    %swap3A_150 = arith.constant 6 : index
    %swap3A_151 = arith.constant 0 : index
    %swap3A_152 = arith.constant 0 : index
    %swap3A_153 = vector.load %arg3[%swap3A_150, %swap3A_151, %swap3A_152] : memref<8x64x4096xf32, #tpu.memory_space<vmem>>, vector<1x64x4096xf32>
    %swap3A_154 = vector.shape_cast %swap3A_153 : vector<1x64x4096xf32> to vector<64x4096xf32>
    %swap3A_155 = vector.shape_cast %add3A_149 : vector<64x4096xf32> to vector<1x64x4096xf32>
    tpu.vector_store %arg3[%swap3A_150, %swap3A_151, %swap3A_152], %swap3A_155 {strides = array<i32>} : memref<8x64x4096xf32, #tpu.memory_space<vmem>>, vector<1x64x4096xf32>,
    %get3A_156 = arith.constant 7 : index
    %get3A_157 = arith.constant 0 : index
    %get3A_158 = vector.load %arg1[%get3A_156, %get3A_157] : memref<8x4096xi32, #tpu.memory_space<vmem>>, vector<1x4096xi32>
    %get3A_159 = vector.shape_cast %get3A_158 : vector<1x4096xi32> to vector<4096xi32>
    %reshape3A_160 = vector.shape_cast %get3A_159 : vector<4096xi32> to vector<1x4096xi32>
    %eq3A_161 = vector.broadcast %reshape3A_160 : vector<1x4096xi32> to vector<50x4096xi32>
    %eq3A_162 = arith.cmpi eq, %iota3A, %eq3A_161 : vector<50x4096xi32>
    %jit3A_163 = arith.constant 1.000000e+00 : f32
    %jit3A_164 = arith.constant 0.000000e+00 : f32
    %broadcast_in_dim3A_165 = vector.broadcast %jit3A_163 : f32 to vector<50x4096xf32>
    %broadcast_in_dim3A_166 = vector.broadcast %jit3A_164 : f32 to vector<50x4096xf32>
    %select_n3A_167 = arith.select %eq3A_162, %broadcast_in_dim3A_165, %broadcast_in_dim3A_166 : vector<50x4096xi1>, vector<50x4096xf32>
    %dot_general3A_168 = arith.constant dense<0.000000e+00> : vector<64x4096xf32>
    %dot_general3A_169 = tpu.matmul %convert_element_type3A_2, %select_n3A_167, %dot_general3A_168 {dimension_numbers = #tpu.dot_dimension_numbers<[0], [0], [1], [1], [0, 1, 1, 1], [], []>, transpose_lhs_hint = false} : vector<50x64xf32>, vector<50x4096xf32>, vector<64x4096xf32> -> vector<64x4096xf32>
    %dot_general3A_170 = arith.constant dense<0.000000e+00> : vector<64x4096xf32>
    %dot_general3A_171 = tpu.matmul %sub3A, %select_n3A_167, %dot_general3A_170 {dimension_numbers = #tpu.dot_dimension_numbers<[0], [0], [1], [1], [0, 1, 1, 1], [], []>, transpose_lhs_hint = false} : vector<50x64xf32>, vector<50x4096xf32>, vector<64x4096xf32> -> vector<64x4096xf32>
    %add3A_172 = arith.addf %dot_general3A_169, %dot_general3A_171 : vector<64x4096xf32>
    %swap3A_173 = arith.constant 7 : index
    %swap3A_174 = arith.constant 0 : index
    %swap3A_175 = arith.constant 0 : index
    %swap3A_176 = vector.load %arg3[%swap3A_173, %swap3A_174, %swap3A_175] : memref<8x64x4096xf32, #tpu.memory_space<vmem>>, vector<1x64x4096xf32>
    %swap3A_177 = vector.shape_cast %swap3A_176 : vector<1x64x4096xf32> to vector<64x4096xf32>
    %swap3A_178 = vector.shape_cast %add3A_172 : vector<64x4096xf32> to vector<1x64x4096xf32>
    tpu.vector_store %arg3[%swap3A_173, %swap3A_174, %swap3A_175], %swap3A_178 {strides = array<i32>} : memref<8x64x4096xf32, #tpu.memory_space<vmem>>, vector<1x64x4096xf32>,
    return
  }
  func.func @transform_0(%arg0: i32) -> (i32, i32) {
    %c0_i32 = arith.constant 0 : i32
    %c0_i32_0 = arith.constant 0 : i32
    return %arg0, %c0_i32 : i32, i32
  }
  func.func @transform_1(%arg0: i32) -> (i32, i32) {
    %c0_i32 = arith.constant 0 : i32
    %c0_i32_0 = arith.constant 0 : i32
    %c0_i32_1 = arith.constant 0 : i32
    return %c0_i32, %c0_i32_0 : i32, i32
  }
  func.func @transform_2(%arg0: i32) -> (i32, i32, i32) {
    %c0_i32 = arith.constant 0 : i32
    %c0_i32_0 = arith.constant 0 : i32
    %c0_i32_1 = arith.constant 0 : i32
    return %arg0, %c0_i32, %c0_i32_0 : i32, i32, i32
  }
}

module attributes {stable_mosaic.version = 14 : i64} {
  func.func @_expand_tail_kernel(%arg0: i32, %arg1: memref<200x64x4096xf32, #tpu.memory_space<any>>, %arg2: memref<8x4096xi32, #tpu.memory_space<vmem>>, %arg3: memref<50x64xf32, #tpu.memory_space<vmem>>, %arg4: memref<8x64x4096xf32, #tpu.memory_space<vmem>>) attributes {dimension_semantics = [#tpu.dimension_semantics<arbitrary>], iteration_bounds = array<i64: 16>, scalar_prefetch = 0 : i64, scratch_operands = 0 : i64, tpu.core_type = #tpu.core_type<tc>, window_params = [{}, {transform_indices = @transform_1, window_bounds = array<i64: 8, 4096>}, {pipeline_mode = #tpu.pipeline_mode<synchronous>, transform_indices = @transform_2, window_bounds = array<i64: 50, 64>}, {transform_indices = @transform_3, window_bounds = array<i64: 8, 64, 4096>}]} {
    %iota3A = tpu.iota {dimensions = array<i32: 0>} : vector<50x4096xi32>
    %get3A = arith.constant 0 : index
    %get3A_0 = arith.constant 0 : index
    %get3A_1 = vector.load %arg3[%get3A, %get3A_0] : memref<50x64xf32, #tpu.memory_space<vmem>>, vector<50x64xf32>
    %convert_element_type3A = arith.truncf %get3A_1 : vector<50x64xf32> to vector<50x64xbf16>
    %convert_element_type3A_2 = arith.extf %convert_element_type3A : vector<50x64xbf16> to vector<50x64xf32>
    %sub3A = arith.subf %get3A_1, %convert_element_type3A_2 : vector<50x64xf32>
    %get3A_3 = arith.constant 0 : index
    %get3A_4 = arith.constant 0 : index
    %get3A_5 = vector.load %arg2[%get3A_3, %get3A_4] : memref<8x4096xi32, #tpu.memory_space<vmem>>, vector<1x4096xi32>
    %get3A_6 = vector.shape_cast %get3A_5 : vector<1x4096xi32> to vector<4096xi32>
    %reshape3A = vector.shape_cast %get3A_6 : vector<4096xi32> to vector<1x4096xi32>
    %eq3A = vector.broadcast %reshape3A : vector<1x4096xi32> to vector<50x4096xi32>
    %eq3A_7 = arith.cmpi eq, %iota3A, %eq3A : vector<50x4096xi32>
    %jit3A = arith.constant 1.000000e+00 : f32
    %jit3A_8 = arith.constant 0.000000e+00 : f32
    %broadcast_in_dim3A = vector.broadcast %jit3A : f32 to vector<50x4096xf32>
    %broadcast_in_dim3A_9 = vector.broadcast %jit3A_8 : f32 to vector<50x4096xf32>
    %select_n3A = arith.select %eq3A_7, %broadcast_in_dim3A, %broadcast_in_dim3A_9 : vector<50x4096xi1>, vector<50x4096xf32>
    %dot_general3A = arith.constant dense<0.000000e+00> : vector<64x4096xf32>
    %dot_general3A_10 = tpu.matmul %convert_element_type3A_2, %select_n3A, %dot_general3A {dimension_numbers = #tpu.dot_dimension_numbers<[0], [0], [1], [1], [0, 1, 1, 1], [], []>, transpose_lhs_hint = false} : vector<50x64xf32>, vector<50x4096xf32>, vector<64x4096xf32> -> vector<64x4096xf32>
    %dot_general3A_11 = arith.constant dense<0.000000e+00> : vector<64x4096xf32>
    %dot_general3A_12 = tpu.matmul %sub3A, %select_n3A, %dot_general3A_11 {dimension_numbers = #tpu.dot_dimension_numbers<[0], [0], [1], [1], [0, 1, 1, 1], [], []>, transpose_lhs_hint = false} : vector<50x64xf32>, vector<50x4096xf32>, vector<64x4096xf32> -> vector<64x4096xf32>
    %add3A = arith.addf %dot_general3A_10, %dot_general3A_12 : vector<64x4096xf32>
    %swap3A = arith.constant 0 : index
    %swap3A_13 = arith.constant 0 : index
    %swap3A_14 = arith.constant 0 : index
    %swap3A_15 = vector.load %arg4[%swap3A, %swap3A_13, %swap3A_14] : memref<8x64x4096xf32, #tpu.memory_space<vmem>>, vector<1x64x4096xf32>
    %swap3A_16 = vector.shape_cast %swap3A_15 : vector<1x64x4096xf32> to vector<64x4096xf32>
    %swap3A_17 = vector.shape_cast %add3A : vector<64x4096xf32> to vector<1x64x4096xf32>
    tpu.vector_store %arg4[%swap3A, %swap3A_13, %swap3A_14], %swap3A_17 {strides = array<i32>} : memref<8x64x4096xf32, #tpu.memory_space<vmem>>, vector<1x64x4096xf32>,
    %get3A_18 = arith.constant 1 : index
    %get3A_19 = arith.constant 0 : index
    %get3A_20 = vector.load %arg2[%get3A_18, %get3A_19] : memref<8x4096xi32, #tpu.memory_space<vmem>>, vector<1x4096xi32>
    %get3A_21 = vector.shape_cast %get3A_20 : vector<1x4096xi32> to vector<4096xi32>
    %reshape3A_22 = vector.shape_cast %get3A_21 : vector<4096xi32> to vector<1x4096xi32>
    %eq3A_23 = vector.broadcast %reshape3A_22 : vector<1x4096xi32> to vector<50x4096xi32>
    %eq3A_24 = arith.cmpi eq, %iota3A, %eq3A_23 : vector<50x4096xi32>
    %jit3A_25 = arith.constant 1.000000e+00 : f32
    %jit3A_26 = arith.constant 0.000000e+00 : f32
    %broadcast_in_dim3A_27 = vector.broadcast %jit3A_25 : f32 to vector<50x4096xf32>
    %broadcast_in_dim3A_28 = vector.broadcast %jit3A_26 : f32 to vector<50x4096xf32>
    %select_n3A_29 = arith.select %eq3A_24, %broadcast_in_dim3A_27, %broadcast_in_dim3A_28 : vector<50x4096xi1>, vector<50x4096xf32>
    %dot_general3A_30 = arith.constant dense<0.000000e+00> : vector<64x4096xf32>
    %dot_general3A_31 = tpu.matmul %convert_element_type3A_2, %select_n3A_29, %dot_general3A_30 {dimension_numbers = #tpu.dot_dimension_numbers<[0], [0], [1], [1], [0, 1, 1, 1], [], []>, transpose_lhs_hint = false} : vector<50x64xf32>, vector<50x4096xf32>, vector<64x4096xf32> -> vector<64x4096xf32>
    %dot_general3A_32 = arith.constant dense<0.000000e+00> : vector<64x4096xf32>
    %dot_general3A_33 = tpu.matmul %sub3A, %select_n3A_29, %dot_general3A_32 {dimension_numbers = #tpu.dot_dimension_numbers<[0], [0], [1], [1], [0, 1, 1, 1], [], []>, transpose_lhs_hint = false} : vector<50x64xf32>, vector<50x4096xf32>, vector<64x4096xf32> -> vector<64x4096xf32>
    %add3A_34 = arith.addf %dot_general3A_31, %dot_general3A_33 : vector<64x4096xf32>
    %swap3A_35 = arith.constant 1 : index
    %swap3A_36 = arith.constant 0 : index
    %swap3A_37 = arith.constant 0 : index
    %swap3A_38 = vector.load %arg4[%swap3A_35, %swap3A_36, %swap3A_37] : memref<8x64x4096xf32, #tpu.memory_space<vmem>>, vector<1x64x4096xf32>
    %swap3A_39 = vector.shape_cast %swap3A_38 : vector<1x64x4096xf32> to vector<64x4096xf32>
    %swap3A_40 = vector.shape_cast %add3A_34 : vector<64x4096xf32> to vector<1x64x4096xf32>
    tpu.vector_store %arg4[%swap3A_35, %swap3A_36, %swap3A_37], %swap3A_40 {strides = array<i32>} : memref<8x64x4096xf32, #tpu.memory_space<vmem>>, vector<1x64x4096xf32>,
    %get3A_41 = arith.constant 2 : index
    %get3A_42 = arith.constant 0 : index
    %get3A_43 = vector.load %arg2[%get3A_41, %get3A_42] : memref<8x4096xi32, #tpu.memory_space<vmem>>, vector<1x4096xi32>
    %get3A_44 = vector.shape_cast %get3A_43 : vector<1x4096xi32> to vector<4096xi32>
    %reshape3A_45 = vector.shape_cast %get3A_44 : vector<4096xi32> to vector<1x4096xi32>
    %eq3A_46 = vector.broadcast %reshape3A_45 : vector<1x4096xi32> to vector<50x4096xi32>
    %eq3A_47 = arith.cmpi eq, %iota3A, %eq3A_46 : vector<50x4096xi32>
    %jit3A_48 = arith.constant 1.000000e+00 : f32
    %jit3A_49 = arith.constant 0.000000e+00 : f32
    %broadcast_in_dim3A_50 = vector.broadcast %jit3A_48 : f32 to vector<50x4096xf32>
    %broadcast_in_dim3A_51 = vector.broadcast %jit3A_49 : f32 to vector<50x4096xf32>
    %select_n3A_52 = arith.select %eq3A_47, %broadcast_in_dim3A_50, %broadcast_in_dim3A_51 : vector<50x4096xi1>, vector<50x4096xf32>
    %dot_general3A_53 = arith.constant dense<0.000000e+00> : vector<64x4096xf32>
    %dot_general3A_54 = tpu.matmul %convert_element_type3A_2, %select_n3A_52, %dot_general3A_53 {dimension_numbers = #tpu.dot_dimension_numbers<[0], [0], [1], [1], [0, 1, 1, 1], [], []>, transpose_lhs_hint = false} : vector<50x64xf32>, vector<50x4096xf32>, vector<64x4096xf32> -> vector<64x4096xf32>
    %dot_general3A_55 = arith.constant dense<0.000000e+00> : vector<64x4096xf32>
    %dot_general3A_56 = tpu.matmul %sub3A, %select_n3A_52, %dot_general3A_55 {dimension_numbers = #tpu.dot_dimension_numbers<[0], [0], [1], [1], [0, 1, 1, 1], [], []>, transpose_lhs_hint = false} : vector<50x64xf32>, vector<50x4096xf32>, vector<64x4096xf32> -> vector<64x4096xf32>
    %add3A_57 = arith.addf %dot_general3A_54, %dot_general3A_56 : vector<64x4096xf32>
    %swap3A_58 = arith.constant 2 : index
    %swap3A_59 = arith.constant 0 : index
    %swap3A_60 = arith.constant 0 : index
    %swap3A_61 = vector.load %arg4[%swap3A_58, %swap3A_59, %swap3A_60] : memref<8x64x4096xf32, #tpu.memory_space<vmem>>, vector<1x64x4096xf32>
    %swap3A_62 = vector.shape_cast %swap3A_61 : vector<1x64x4096xf32> to vector<64x4096xf32>
    %swap3A_63 = vector.shape_cast %add3A_57 : vector<64x4096xf32> to vector<1x64x4096xf32>
    tpu.vector_store %arg4[%swap3A_58, %swap3A_59, %swap3A_60], %swap3A_63 {strides = array<i32>} : memref<8x64x4096xf32, #tpu.memory_space<vmem>>, vector<1x64x4096xf32>,
    %get3A_64 = arith.constant 3 : index
    %get3A_65 = arith.constant 0 : index
    %get3A_66 = vector.load %arg2[%get3A_64, %get3A_65] : memref<8x4096xi32, #tpu.memory_space<vmem>>, vector<1x4096xi32>
    %get3A_67 = vector.shape_cast %get3A_66 : vector<1x4096xi32> to vector<4096xi32>
    %reshape3A_68 = vector.shape_cast %get3A_67 : vector<4096xi32> to vector<1x4096xi32>
    %eq3A_69 = vector.broadcast %reshape3A_68 : vector<1x4096xi32> to vector<50x4096xi32>
    %eq3A_70 = arith.cmpi eq, %iota3A, %eq3A_69 : vector<50x4096xi32>
    %jit3A_71 = arith.constant 1.000000e+00 : f32
    %jit3A_72 = arith.constant 0.000000e+00 : f32
    %broadcast_in_dim3A_73 = vector.broadcast %jit3A_71 : f32 to vector<50x4096xf32>
    %broadcast_in_dim3A_74 = vector.broadcast %jit3A_72 : f32 to vector<50x4096xf32>
    %select_n3A_75 = arith.select %eq3A_70, %broadcast_in_dim3A_73, %broadcast_in_dim3A_74 : vector<50x4096xi1>, vector<50x4096xf32>
    %dot_general3A_76 = arith.constant dense<0.000000e+00> : vector<64x4096xf32>
    %dot_general3A_77 = tpu.matmul %convert_element_type3A_2, %select_n3A_75, %dot_general3A_76 {dimension_numbers = #tpu.dot_dimension_numbers<[0], [0], [1], [1], [0, 1, 1, 1], [], []>, transpose_lhs_hint = false} : vector<50x64xf32>, vector<50x4096xf32>, vector<64x4096xf32> -> vector<64x4096xf32>
    %dot_general3A_78 = arith.constant dense<0.000000e+00> : vector<64x4096xf32>
    %dot_general3A_79 = tpu.matmul %sub3A, %select_n3A_75, %dot_general3A_78 {dimension_numbers = #tpu.dot_dimension_numbers<[0], [0], [1], [1], [0, 1, 1, 1], [], []>, transpose_lhs_hint = false} : vector<50x64xf32>, vector<50x4096xf32>, vector<64x4096xf32> -> vector<64x4096xf32>
    %add3A_80 = arith.addf %dot_general3A_77, %dot_general3A_79 : vector<64x4096xf32>
    %swap3A_81 = arith.constant 3 : index
    %swap3A_82 = arith.constant 0 : index
    %swap3A_83 = arith.constant 0 : index
    %swap3A_84 = vector.load %arg4[%swap3A_81, %swap3A_82, %swap3A_83] : memref<8x64x4096xf32, #tpu.memory_space<vmem>>, vector<1x64x4096xf32>
    %swap3A_85 = vector.shape_cast %swap3A_84 : vector<1x64x4096xf32> to vector<64x4096xf32>
    %swap3A_86 = vector.shape_cast %add3A_80 : vector<64x4096xf32> to vector<1x64x4096xf32>
    tpu.vector_store %arg4[%swap3A_81, %swap3A_82, %swap3A_83], %swap3A_86 {strides = array<i32>} : memref<8x64x4096xf32, #tpu.memory_space<vmem>>, vector<1x64x4096xf32>,
    %get3A_87 = arith.constant 4 : index
    %get3A_88 = arith.constant 0 : index
    %get3A_89 = vector.load %arg2[%get3A_87, %get3A_88] : memref<8x4096xi32, #tpu.memory_space<vmem>>, vector<1x4096xi32>
    %get3A_90 = vector.shape_cast %get3A_89 : vector<1x4096xi32> to vector<4096xi32>
    %reshape3A_91 = vector.shape_cast %get3A_90 : vector<4096xi32> to vector<1x4096xi32>
    %eq3A_92 = vector.broadcast %reshape3A_91 : vector<1x4096xi32> to vector<50x4096xi32>
    %eq3A_93 = arith.cmpi eq, %iota3A, %eq3A_92 : vector<50x4096xi32>
    %jit3A_94 = arith.constant 1.000000e+00 : f32
    %jit3A_95 = arith.constant 0.000000e+00 : f32
    %broadcast_in_dim3A_96 = vector.broadcast %jit3A_94 : f32 to vector<50x4096xf32>
    %broadcast_in_dim3A_97 = vector.broadcast %jit3A_95 : f32 to vector<50x4096xf32>
    %select_n3A_98 = arith.select %eq3A_93, %broadcast_in_dim3A_96, %broadcast_in_dim3A_97 : vector<50x4096xi1>, vector<50x4096xf32>
    %dot_general3A_99 = arith.constant dense<0.000000e+00> : vector<64x4096xf32>
    %dot_general3A_100 = tpu.matmul %convert_element_type3A_2, %select_n3A_98, %dot_general3A_99 {dimension_numbers = #tpu.dot_dimension_numbers<[0], [0], [1], [1], [0, 1, 1, 1], [], []>, transpose_lhs_hint = false} : vector<50x64xf32>, vector<50x4096xf32>, vector<64x4096xf32> -> vector<64x4096xf32>
    %dot_general3A_101 = arith.constant dense<0.000000e+00> : vector<64x4096xf32>
    %dot_general3A_102 = tpu.matmul %sub3A, %select_n3A_98, %dot_general3A_101 {dimension_numbers = #tpu.dot_dimension_numbers<[0], [0], [1], [1], [0, 1, 1, 1], [], []>, transpose_lhs_hint = false} : vector<50x64xf32>, vector<50x4096xf32>, vector<64x4096xf32> -> vector<64x4096xf32>
    %add3A_103 = arith.addf %dot_general3A_100, %dot_general3A_102 : vector<64x4096xf32>
    %swap3A_104 = arith.constant 4 : index
    %swap3A_105 = arith.constant 0 : index
    %swap3A_106 = arith.constant 0 : index
    %swap3A_107 = vector.load %arg4[%swap3A_104, %swap3A_105, %swap3A_106] : memref<8x64x4096xf32, #tpu.memory_space<vmem>>, vector<1x64x4096xf32>
    %swap3A_108 = vector.shape_cast %swap3A_107 : vector<1x64x4096xf32> to vector<64x4096xf32>
    %swap3A_109 = vector.shape_cast %add3A_103 : vector<64x4096xf32> to vector<1x64x4096xf32>
    tpu.vector_store %arg4[%swap3A_104, %swap3A_105, %swap3A_106], %swap3A_109 {strides = array<i32>} : memref<8x64x4096xf32, #tpu.memory_space<vmem>>, vector<1x64x4096xf32>,
    %get3A_110 = arith.constant 5 : index
    %get3A_111 = arith.constant 0 : index
    %get3A_112 = vector.load %arg2[%get3A_110, %get3A_111] : memref<8x4096xi32, #tpu.memory_space<vmem>>, vector<1x4096xi32>
    %get3A_113 = vector.shape_cast %get3A_112 : vector<1x4096xi32> to vector<4096xi32>
    %reshape3A_114 = vector.shape_cast %get3A_113 : vector<4096xi32> to vector<1x4096xi32>
    %eq3A_115 = vector.broadcast %reshape3A_114 : vector<1x4096xi32> to vector<50x4096xi32>
    %eq3A_116 = arith.cmpi eq, %iota3A, %eq3A_115 : vector<50x4096xi32>
    %jit3A_117 = arith.constant 1.000000e+00 : f32
    %jit3A_118 = arith.constant 0.000000e+00 : f32
    %broadcast_in_dim3A_119 = vector.broadcast %jit3A_117 : f32 to vector<50x4096xf32>
    %broadcast_in_dim3A_120 = vector.broadcast %jit3A_118 : f32 to vector<50x4096xf32>
    %select_n3A_121 = arith.select %eq3A_116, %broadcast_in_dim3A_119, %broadcast_in_dim3A_120 : vector<50x4096xi1>, vector<50x4096xf32>
    %dot_general3A_122 = arith.constant dense<0.000000e+00> : vector<64x4096xf32>
    %dot_general3A_123 = tpu.matmul %convert_element_type3A_2, %select_n3A_121, %dot_general3A_122 {dimension_numbers = #tpu.dot_dimension_numbers<[0], [0], [1], [1], [0, 1, 1, 1], [], []>, transpose_lhs_hint = false} : vector<50x64xf32>, vector<50x4096xf32>, vector<64x4096xf32> -> vector<64x4096xf32>
    %dot_general3A_124 = arith.constant dense<0.000000e+00> : vector<64x4096xf32>
    %dot_general3A_125 = tpu.matmul %sub3A, %select_n3A_121, %dot_general3A_124 {dimension_numbers = #tpu.dot_dimension_numbers<[0], [0], [1], [1], [0, 1, 1, 1], [], []>, transpose_lhs_hint = false} : vector<50x64xf32>, vector<50x4096xf32>, vector<64x4096xf32> -> vector<64x4096xf32>
    %add3A_126 = arith.addf %dot_general3A_123, %dot_general3A_125 : vector<64x4096xf32>
    %swap3A_127 = arith.constant 5 : index
    %swap3A_128 = arith.constant 0 : index
    %swap3A_129 = arith.constant 0 : index
    %swap3A_130 = vector.load %arg4[%swap3A_127, %swap3A_128, %swap3A_129] : memref<8x64x4096xf32, #tpu.memory_space<vmem>>, vector<1x64x4096xf32>
    %swap3A_131 = vector.shape_cast %swap3A_130 : vector<1x64x4096xf32> to vector<64x4096xf32>
    %swap3A_132 = vector.shape_cast %add3A_126 : vector<64x4096xf32> to vector<1x64x4096xf32>
    tpu.vector_store %arg4[%swap3A_127, %swap3A_128, %swap3A_129], %swap3A_132 {strides = array<i32>} : memref<8x64x4096xf32, #tpu.memory_space<vmem>>, vector<1x64x4096xf32>,
    %get3A_133 = arith.constant 6 : index
    %get3A_134 = arith.constant 0 : index
    %get3A_135 = vector.load %arg2[%get3A_133, %get3A_134] : memref<8x4096xi32, #tpu.memory_space<vmem>>, vector<1x4096xi32>
    %get3A_136 = vector.shape_cast %get3A_135 : vector<1x4096xi32> to vector<4096xi32>
    %reshape3A_137 = vector.shape_cast %get3A_136 : vector<4096xi32> to vector<1x4096xi32>
    %eq3A_138 = vector.broadcast %reshape3A_137 : vector<1x4096xi32> to vector<50x4096xi32>
    %eq3A_139 = arith.cmpi eq, %iota3A, %eq3A_138 : vector<50x4096xi32>
    %jit3A_140 = arith.constant 1.000000e+00 : f32
    %jit3A_141 = arith.constant 0.000000e+00 : f32
    %broadcast_in_dim3A_142 = vector.broadcast %jit3A_140 : f32 to vector<50x4096xf32>
    %broadcast_in_dim3A_143 = vector.broadcast %jit3A_141 : f32 to vector<50x4096xf32>
    %select_n3A_144 = arith.select %eq3A_139, %broadcast_in_dim3A_142, %broadcast_in_dim3A_143 : vector<50x4096xi1>, vector<50x4096xf32>
    %dot_general3A_145 = arith.constant dense<0.000000e+00> : vector<64x4096xf32>
    %dot_general3A_146 = tpu.matmul %convert_element_type3A_2, %select_n3A_144, %dot_general3A_145 {dimension_numbers = #tpu.dot_dimension_numbers<[0], [0], [1], [1], [0, 1, 1, 1], [], []>, transpose_lhs_hint = false} : vector<50x64xf32>, vector<50x4096xf32>, vector<64x4096xf32> -> vector<64x4096xf32>
    %dot_general3A_147 = arith.constant dense<0.000000e+00> : vector<64x4096xf32>
    %dot_general3A_148 = tpu.matmul %sub3A, %select_n3A_144, %dot_general3A_147 {dimension_numbers = #tpu.dot_dimension_numbers<[0], [0], [1], [1], [0, 1, 1, 1], [], []>, transpose_lhs_hint = false} : vector<50x64xf32>, vector<50x4096xf32>, vector<64x4096xf32> -> vector<64x4096xf32>
    %add3A_149 = arith.addf %dot_general3A_146, %dot_general3A_148 : vector<64x4096xf32>
    %swap3A_150 = arith.constant 6 : index
    %swap3A_151 = arith.constant 0 : index
    %swap3A_152 = arith.constant 0 : index
    %swap3A_153 = vector.load %arg4[%swap3A_150, %swap3A_151, %swap3A_152] : memref<8x64x4096xf32, #tpu.memory_space<vmem>>, vector<1x64x4096xf32>
    %swap3A_154 = vector.shape_cast %swap3A_153 : vector<1x64x4096xf32> to vector<64x4096xf32>
    %swap3A_155 = vector.shape_cast %add3A_149 : vector<64x4096xf32> to vector<1x64x4096xf32>
    tpu.vector_store %arg4[%swap3A_150, %swap3A_151, %swap3A_152], %swap3A_155 {strides = array<i32>} : memref<8x64x4096xf32, #tpu.memory_space<vmem>>, vector<1x64x4096xf32>,
    %get3A_156 = arith.constant 7 : index
    %get3A_157 = arith.constant 0 : index
    %get3A_158 = vector.load %arg2[%get3A_156, %get3A_157] : memref<8x4096xi32, #tpu.memory_space<vmem>>, vector<1x4096xi32>
    %get3A_159 = vector.shape_cast %get3A_158 : vector<1x4096xi32> to vector<4096xi32>
    %reshape3A_160 = vector.shape_cast %get3A_159 : vector<4096xi32> to vector<1x4096xi32>
    %eq3A_161 = vector.broadcast %reshape3A_160 : vector<1x4096xi32> to vector<50x4096xi32>
    %eq3A_162 = arith.cmpi eq, %iota3A, %eq3A_161 : vector<50x4096xi32>
    %jit3A_163 = arith.constant 1.000000e+00 : f32
    %jit3A_164 = arith.constant 0.000000e+00 : f32
    %broadcast_in_dim3A_165 = vector.broadcast %jit3A_163 : f32 to vector<50x4096xf32>
    %broadcast_in_dim3A_166 = vector.broadcast %jit3A_164 : f32 to vector<50x4096xf32>
    %select_n3A_167 = arith.select %eq3A_162, %broadcast_in_dim3A_165, %broadcast_in_dim3A_166 : vector<50x4096xi1>, vector<50x4096xf32>
    %dot_general3A_168 = arith.constant dense<0.000000e+00> : vector<64x4096xf32>
    %dot_general3A_169 = tpu.matmul %convert_element_type3A_2, %select_n3A_167, %dot_general3A_168 {dimension_numbers = #tpu.dot_dimension_numbers<[0], [0], [1], [1], [0, 1, 1, 1], [], []>, transpose_lhs_hint = false} : vector<50x64xf32>, vector<50x4096xf32>, vector<64x4096xf32> -> vector<64x4096xf32>
    %dot_general3A_170 = arith.constant dense<0.000000e+00> : vector<64x4096xf32>
    %dot_general3A_171 = tpu.matmul %sub3A, %select_n3A_167, %dot_general3A_170 {dimension_numbers = #tpu.dot_dimension_numbers<[0], [0], [1], [1], [0, 1, 1, 1], [], []>, transpose_lhs_hint = false} : vector<50x64xf32>, vector<50x4096xf32>, vector<64x4096xf32> -> vector<64x4096xf32>
    %add3A_172 = arith.addf %dot_general3A_169, %dot_general3A_171 : vector<64x4096xf32>
    %swap3A_173 = arith.constant 7 : index
    %swap3A_174 = arith.constant 0 : index
    %swap3A_175 = arith.constant 0 : index
    %swap3A_176 = vector.load %arg4[%swap3A_173, %swap3A_174, %swap3A_175] : memref<8x64x4096xf32, #tpu.memory_space<vmem>>, vector<1x64x4096xf32>
    %swap3A_177 = vector.shape_cast %swap3A_176 : vector<1x64x4096xf32> to vector<64x4096xf32>
    %swap3A_178 = vector.shape_cast %add3A_172 : vector<64x4096xf32> to vector<1x64x4096xf32>
    tpu.vector_store %arg4[%swap3A_173, %swap3A_174, %swap3A_175], %swap3A_178 {strides = array<i32>} : memref<8x64x4096xf32, #tpu.memory_space<vmem>>, vector<1x64x4096xf32>,
    return
  }
  func.func @transform_1(%arg0: i32) -> (i32, i32) {
    %c0_i32 = arith.constant 0 : i32
    %c0_i32_0 = arith.constant 0 : i32
    return %arg0, %c0_i32 : i32, i32
  }
  func.func @transform_2(%arg0: i32) -> (i32, i32) {
    %c0_i32 = arith.constant 0 : i32
    %c0_i32_0 = arith.constant 0 : i32
    %c0_i32_1 = arith.constant 0 : i32
    return %c0_i32, %c0_i32_0 : i32, i32
  }
  func.func @transform_3(%arg0: i32) -> (i32, i32, i32) {
    %add3A = arith.constant 9 : i32
    %add3A_0 = arith.addi %arg0, %add3A : i32
    %c0_i32 = arith.constant 0 : i32
    %c0_i32_1 = arith.constant 0 : i32
    %c0_i32_2 = arith.constant 0 : i32
    return %add3A_0, %c0_i32, %c0_i32_1 : i32, i32, i32
  }
}

</mosaic_0001>

<sc_bundles>
// kernel: _impl.6.cloned.1.call-start
scs
__scs_entry_jumppad:
0x0: {  	(pc) =	sbr.rel $0x88, $3  }
0x1: {  	(tag) =	ssettag $0x0;
	lr =	simm.s32 $0x1  }
0x2: {  	[smem:$0x3F9E] =	sst lr;
	_ =	strace $0xD0000000  }
0x3: {  	_ = 	snop  }
0x4: {  	_ = 	snop  }
0x5: {  	_ = 	snop  }
0x6: {  	_ = 	snop  }
0x7: {  	_ = 	snop  }
__scs_overlays_trampoline_lowered:
0x8: {  	[smem:$0x3FAD] =	sst s0  }
0x9: {  	[smem:$0x3FAE] =	sst s1  }
0xa: {  	[smem:$0x3FAF] =	sst s2  }
0xb: {  	[smem:$0x3FB0] =	sst s3  }
0xc: {  	[smem:$0x3FB1] =	sst s4  }
0xd: {  	[smem:$0x3FB2] =	sst s5  }
0xe: {  	[smem:$0x3FB3] =	sst s6  }
0xf: {  	[smem:$0x3FB4] =	sst s7  }
0x10: {  	[smem:$0x3FB5] =	sst s8  }
0x11: {  	[smem:$0x3FB6] =	sst s9;
	s0 =	simm.s32 @!p0 $0x0  }
0x12: {  	s1 =	sld [smem:$0x3F9C];
	s0 =	simm.s32 @p0 $0x1  }
0x13: {  	[smem:$0x3FB7] =	sst s0;
	s0 =	simm.s32 @!p1 $0x0  }
0x14: {  	s2 =	sld [smem:$0x3F9B];
	s0 =	simm.s32 @p1 $0x1  }
0x15: {  	[smem:$0x3FB8] =	sst s0;
	s0 =	simm.s32 @!p2 $0x0  }
0x16: {  	s3 =	sld [smem:$0x3FDB];
	s0 =	simm.s32 @p2 $0x1  }
0x17: {  	s4 =	simm.s32 $0x1BF5;
	[smem:$0x3FBA] =	sst s0  }
0x18: {  	s0 =	sld [smem:$0x3F9D];
	_ =	swait.ge [sflag:s4], $0x0  }
0x19: {  	s7 =	sld [smem:$0x3F9E]  }
0x1a: {  	s8 =	sadd.s32 $0xFFFFE003, lr  }
0x1b: {  	s9 =	sadd.s32 $0xFFFFFEF7, lr;
	s5 =	simm.s32 $0xFFFFFFFF;
	p2 =	slt.u32 s8, $0xFFFFF086  }
0x1c: {  	p1 =	slt.u32 s9, $0xF7A;
	s5 =	simm.s32 @!p2 $0x0  }
0x1d: {  	s5 =	simm.s32 @p1 $0x1;
	p0 =	seq.s32 s7, s2  }
0x1e: {  	s7 =	smul.u32 @!p0 $0xF7A, s2;
	p2 =	seq.s32 @!p0 s5, $0x0  }
0x1f: {  	s9 =	smul.u32 $0xF7A, s1;
	s8 =	simm.s32 @!p0 $0x1BF5;
	p2 =	por !p2, p0  }
0x20: {  	[sflag:s8] =	ssyncset.s32 @!p0 $0xFFFFF086;
	s6 =	sadd.s32 @!p0 s3, s7;
	s7 =	simm.s32 @!p0 $0x108  }
0x21: {  	s3 =	sadd.s32 s3, s9;
	s6 =	sadd.s32 @!p0 $0x88, s6;
	s7 =	simm.s32 @p2 $0x1082  }
0x22: {  	[simem:s7], [sflag:s8] =	dma.local @!p0 [hbm:s6], $0xF7A  }
0x23: {  	s9 =	sor.u32 $0xD0000000, s2;
	s6 =	simm.s32 $0x108;
	_ =	swait.ge @!p0 [sflag:s8], $0x0  }
0x24: {  	s3 =	sadd.s32 $0x88, s3;
	s6 =	simm.s32 @!p1 $0x1082;
	[sflag:s4] =	ssyncset.s32 $0xFFFFF086  }
0x25: {  	[simem:s6], [sflag:s4] =	dma.local [hbm:s3], $0xF7A  }
0x26: {  	[smem:$0x3F9E] =	sst s1;
	(tag) =	ssettag s2;
	_ =	strace s9  }
0x27: {  	s1 =	sld [smem:$0x3FAE]  }
0x28: {  	s2 =	sld [smem:$0x3FAF]  }
0x29: {  	s4 =	sld [smem:$0x3FB1]  }
0x2a: {  	p0 =	seq.s32 s5, $0x0;
	s5 =	sld [smem:$0x3FB2]  }
0x2b: {  	s6 =	sld [smem:$0x3FB3]  }
0x2c: {  	s7 =	sld [smem:$0x3FB4]  }
0x2d: {  	s3 =	simm.s32 $0x108;
	s8 =	sld [smem:$0x3FB5]  }
0x2e: {  	s3 =	simm.s32 @!p0 $0x1082;
	s9 =	sld [smem:$0x3FB6]  }
0x2f: {  	lr =	sadd.s32 s0, s3;
	s0 =	sld [smem:$0x3FAD]  }
0x30: {  	s3 =	sld [smem:$0x3FB0]  }
0x31: {  	[smem:$0x3FB9] =	sst s10  }
0x32: {  	s10 =	sld [smem:$0x3FB7];
	_ =	sdelay $0x3  }
0x33: {  	p0 =	seq.s32 s10, $0x1;
	s10 =	sld [smem:$0x3FB9];
	_ =	sdelay $0x3  }
0x34: {  	[smem:$0x3FB9] =	sst s10  }
0x35: {  	s10 =	sld [smem:$0x3FB8];
	_ =	sdelay $0x3  }
0x36: {  	p1 =	seq.s32 s10, $0x1;
	s10 =	sld [smem:$0x3FB9];
	_ =	sdelay $0x3  }
0x37: {  	[smem:$0x3FB9] =	sst s10  }
0x38: {  	s10 =	sld [smem:$0x3FBA]  }
0x39: {  	_ = 	snop;
	(pc) =	sbr.ind lr, $3  }
0x3a: {  	_ = 	snop  }
0x3b: {  	_ = 	snop  }
0x3c: {  	p2 =	seq.s32 s10, $0x1;
	s10 =	sld [smem:$0x3FB9]  }
0x3d: {  	_ =	shalt  }
0x3e: {  	_ =	shalt  }
0x3f: {  	_ =	shalt  }
0x40: {  	_ =	shalt  }
0x41: {  	_ =	shalt  }
0x42: {  	_ =	shalt  }
0x43: {  	_ =	shalt  }
0x44: {  	_ =	shalt  }
0x45: {  	_ =	shalt  }
0x46: {  	_ =	shalt  }
0x47: {  	_ =	shalt  }
0x48: {  	_ =	shalt  }
0x49: {  	_ =	shalt  }
0x4a: {  	_ =	shalt  }
0x4b: {  	_ =	shalt  }
0x4c: {  	_ =	shalt  }
0x4d: {  	_ =	shalt  }
0x4e: {  	_ =	shalt  }
0x4f: {  	_ =	shalt  }
0x50: {  	_ =	shalt  }
0x51: {  	_ =	shalt  }
0x52: {  	_ =	shalt  }
0x53: {  	_ =	shalt  }
0x54: {  	_ =	shalt  }
0x55: {  	_ =	shalt  }
0x56: {  	_ =	shalt  }
0x57: {  	_ =	shalt  }
0x58: {  	_ =	shalt  }
0x59: {  	_ =	shalt  }
0x5a: {  	_ =	shalt  }
0x5b: {  	_ =	shalt  }
0x5c: {  	_ =	shalt  }
0x5d: {  	_ =	shalt  }
0x5e: {  	_ =	shalt  }
0x5f: {  	_ =	shalt  }
0x60: {  	_ =	shalt  }
0x61: {  	_ =	shalt  }
0x62: {  	_ =	shalt  }
0x63: {  	_ =	shalt  }
0x64: {  	_ =	shalt  }
0x65: {  	_ =	shalt  }
0x66: {  	_ =	shalt  }
0x67: {  	_ =	shalt  }
0x68: {  	_ =	shalt  }
0x69: {  	_ =	shalt  }
0x6a: {  	_ =	shalt  }
0x6b: {  	_ =	shalt  }
0x6c: {  	_ =	shalt  }
0x6d: {  	_ =	shalt  }
0x6e: {  	_ =	shalt  }
0x6f: {  	_ =	shalt  }
0x70: {  	_ =	shalt  }
0x71: {  	_ =	shalt  }
0x72: {  	_ =	shalt  }
0x73: {  	_ =	shalt  }
0x74: {  	_ =	shalt  }
0x75: {  	_ =	shalt  }
0x76: {  	_ =	shalt  }
0x77: {  	_ =	shalt  }
0x78: {  	_ =	shalt  }
0x79: {  	_ =	shalt  }
0x7a: {  	_ =	shalt  }
0x7b: {  	_ =	shalt  }
0x7c: {  	_ =	shalt  }
0x7d: {  	_ =	shalt  }
0x7e: {  	_ =	shalt  }
0x7f: {  	_ =	shalt  }
0x80: {  	_ =	shalt  }
0x81: {  	_ =	shalt  }
0x82: {  	_ =	shalt  }
0x83: {  	_ =	shalt  }
0x84: {  	_ =	shalt  }
0x85: {  	_ =	shalt  }
0x86: {  	_ =	shalt  }
0x87: {  	_ =	shalt  }
.Lfunc_end0:
.L_simem_size_0:
called_computation_lowered:
.L_overlay_start_0:
0x88: {  	s2 =	sld [smem:$0x3FD9]  }
0x89: {  	s3 =	sld [smem:$0x3FFE];
	_ =	sdelay $0x1  }
0x8a: {  	s1 =	srdreg.scid  }
0x8b: {  	s0 =	sand.u32 $0x1, s1  }
0x8c: {  	s17 =	sshll.u32 s0, $0xA;
	s2 =	sadd.s32 s3, s2  }
0x8d: {  	s2 =	sadd.s32 s2, s17  }
0x8e: {  	[smem:$0x3FC5] =	sst s2  }
0x8f: {  	_ = 	snop  }
0x90: {  	s2 =	sld [smem:$0x3FC8]  }
0x91: {  	s18 =	sld [smem:$0x3FD0];
	(tm) =	ssettm $0x1  }
0x92: {  	s4 =	sld [smem:$0x3FFB];
	_ =	sdelay $0x3  }
0x93: {  	_ =	strace s4  }
0x94: {  	s4 =	sld [smem:$0x3FFC];
	_ =	sdelay $0x3  }
0x95: {  	_ =	strace s4  }
0x96: {  	s4 =	sld [smem:$0x3FFD];
	_ =	sdelay $0x3  }
0x97: {  	_ =	strace s4  }
0x98: {  	_ =	strace $0x8FFFFFFF  }
0x99: {  	s19 =	sld [smem:$0x3FDB];
	_ =	sdelay $0x1  }
0x9a: {  	s5 =	simm.s32 $_scs_section_size  }
0x9b: {  	s6 =	simm.s32 $_size__tile_overlayer_lowered;
	s7 =	simm.s32 $_tile_overlayer_lowered  }
0x9c: {  	s22 =	simm.s32 $0x1BFF;
	s21 =	sshll.u32 s7, $0x1;
	s4 =	sadd.s32 s5, s19  }
0x9d: {  	s8 =	simm.s32 $0x0;
	s20 =	sshll.u32 s6, $0x1;
	s6 =	sadd.s32 s21, s4  }
0x9e: {  	[timem:s8], [sflag:s22] =	dma.local [hbm:s6], s20  }
0x9f: {  	_ =	swait.ge [sflag:s22], s20  }
0xa0: {  	s5 =	ssub.s32 $0x0, s20;
	[sflag:s22] =	ssyncset.done $0x0  }
0xa1: {  	[sflag:s22] =	ssyncadd.s32 s5;
	_ =	sdelay $0x1  }
0xa2: {  	s23 =	simm.s32 $0x1B8B  }
0xa3: {  	_ =	swait.ge [sflag:s23], $0x1  }
0xa4: {  	[sflag:s23] =	ssyncset.done $0x0  }
0xa5: {  	s25 =	simm.s32 $0x1B8E;
	s24 =	sld [smem:$0x3FFE];
	[sflag:s23] =	ssyncadd.s32 $0xFFFFFFFF  }
0xa6: {  	s26 =	simm.s32 $execute0_lowered;
	[smem:$0x3FD2] =	sst s25  }
0xa7: {  	s6 =	sshll.u32 s26, $0x1;
	_ =	strace $0x80000046;
	[dreg:$0x1] =	wrdreg $0xFFFFFFFF  }
0xa8: {  	s28 =	simm.s32 $_size_execute0_lowered;
	s4 =	sadd.s32 s4, s6;
	[dreg:$0x0] =	wrdreg $0x0  }
0xa9: {  	s6 =	sshll.u32 s28, $0x1;
	[dreg:$0x2] =	wrdreg s4  }
0xaa: {  	[dreg:$0x3] =	wrdreg s6  }
0xab: {  	[dreg:$0x4] =	wrdreg $0xC0  }
0xac: {  	_ =	task [dreg:s8], $0x5FFFF  }
0xad: {  	[dreg:$0x1] =	wrdreg $0xFFFFFFFF  }
0xae: {  	[dreg:$0x0] =	wrdreg $0x60  }
0xaf: {  	[dreg:$0x2] =	wrdreg s24  }
0xb0: {  	[dreg:$0x3] =	wrdreg s2  }
0xb1: {  	[dreg:$0x4] =	wrdreg s18  }
0xb2: {  	[dreg:$0x5] =	wrdreg $0x9  }
0xb3: {  	_ =	task.clear_ibuf [dreg:s8], $0x6FFFF;
	_ =	strace $0x90000046  }
0xb4: {  	s29 =	simm.s32 $0x9;
	_ =	strace $0x80000048  }
0xb5: {  	_ =	swait.ge [sflag:s29], $0x1  }
0xb6: {  	[sflag:s29] =	ssyncadd.s32 $0xFFFFFFFF  }
0xb7: {  	_ =	strace $0x90000048  }
0xb8: {  	_ =	sfence  }
0xb9: {  	s30 =	sld [smem:$0x0];
	_ =	sdelay $0x2  }
0xba: {  	s31 =	sshll.u32 s1, $0xD;
	s1 =	sshrl.u32 s1, $0x2  }
0xbb: {  	s3 =	sand.u32 $0x4000, s31;
	s1 =	sadd.s32 s1, s30  }
0xbc: {  	s0 =	sor.u32 s3, s0;
	s1 =	sshll.u32 s1, $0x11  }
0xbd: {  	s0 =	sor.u32 s1, s0  }
0xbe: {  	s0 =	sadd.s32 $0x8F2B, s0  }
0xbf: {  	[sflag:s0] =	ssyncadd.remote.s32 $0x1  }
0xc0: {  	_ =	sfence.sel $0xFFFF  }
0xc1: {  	[dreg:$0x0] =	wrdreg $0xFFFFFFFF;
	(pc) =	sbr.abs _section_cstart, $3  }
0xc2: {  	[dreg:$0x1] =	wrdreg $0xFFFFFFFF  }
0xc3: {  	_ =	task.clear_ibuf [dreg:s8], $0x2FFFF;
	_ =	strace $0x9FFFFFFF  }
0xc4: {  	(tm) =	ssettm $0x7FFFFFFF  }
0xc5: {  	_ =	shalt  }
tec
execute0_lowered:
.L_overlay_start_1:
0x0: {  	(tag) =	ssettag $0x1  }
0x1: {  	v0 =	vimm.s32 $0xB80;
	vm9 =	vcmask $0x300  }
0x2: {  	v1 =	vimm.s32 $0x1B80;
	vm10 =	vcmask $0x704;
	vm11 =	vcmask $0xB08  }
0x3: {  	vm12 =	vcmask $0xF0C;
	vm13 =	vcmask $0x1310;
	vm14 =	vcmask $0x1714  }
0x4: {  	vm8 =	vcmask $0x1B18;
	vm7 =	vcmask $0x1F1C;
	vm6 =	vcmask $0x2320  }
0x5: {  	vm5 =	vcmask $0x2724;
	vm4 =	vcmask $0x2B28;
	vm3 =	vcmask $0x2F2C  }
0x6: {  	vm2 =	vcmask $0x3330;
	vm0 =	vcmask $0x3734;
	vm1 =	vcmask $0x3B38  }
0x7: {  	v2 =	vimm.s32 $0x2B80;
	v3 =	vimm.s32 $0x3B80;
	v4 =	vimm.s32 $0x4B80  }
0x8: {  	v5 =	vimm.s32 $0x5B80;
	v6 =	vimm.s32 $0x6B80;
	v7 =	vimm.s32 $0x7B80  }
0x9: {  	v0 =	vsel vm9, $0x0, v0;
	v1 =	vsel vm9, $0x1000, v1;
	v2 =	vsel vm9, $0x2000, v2  }
0xa: {  	v3 =	vsel vm9, $0x3000, v3;
	v4 =	vsel vm9, $0x4000, v4;
	v5 =	vsel vm9, $0x5000, v5  }
0xb: {  	v6 =	vsel vm9, $0x6000, v6;
	v7 =	vsel vm9, $0x7000, v7;
	v0 =	vsel vm10, $0x80, v0  }
0xc: {  	v1 =	vsel vm10, $0x1080, v1;
	v2 =	vsel vm10, $0x2080, v2;
	v3 =	vsel vm10, $0x3080, v3  }
0xd: {  	v4 =	vsel vm10, $0x4080, v4;
	v5 =	vsel vm10, $0x5080, v5;
	v6 =	vsel vm10, $0x6080, v6  }
0xe: {  	v7 =	vsel vm10, $0x7080, v7;
	v0 =	vsel vm11, $0x100, v0;
	v1 =	vsel vm11, $0x1100, v1  }
0xf: {  	v2 =	vsel vm11, $0x2100, v2;
	v3 =	vsel vm11, $0x3100, v3;
	v4 =	vsel vm11, $0x4100, v4  }
0x10: {  	v5 =	vsel vm11, $0x5100, v5;
	v6 =	vsel vm11, $0x6100, v6;
	v7 =	vsel vm11, $0x7100, v7  }
0x11: {  	v0 =	vsel vm12, $0x180, v0;
	v1 =	vsel vm12, $0x1180, v1;
	v2 =	vsel vm12, $0x2180, v2  }
0x12: {  	v3 =	vsel vm12, $0x3180, v3;
	v4 =	vsel vm12, $0x4180, v4;
	v5 =	vsel vm12, $0x5180, v5  }
0x13: {  	v6 =	vsel vm12, $0x6180, v6;
	v7 =	vsel vm12, $0x7180, v7;
	v0 =	vsel vm13, $0x200, v0  }
0x14: {  	v1 =	vsel vm13, $0x1200, v1;
	v2 =	vsel vm13, $0x2200, v2;
	v3 =	vsel vm13, $0x3200, v3  }
0x15: {  	v4 =	vsel vm13, $0x4200, v4;
	v5 =	vsel vm13, $0x5200, v5;
	v6 =	vsel vm13, $0x6200, v6  }
0x16: {  	v7 =	vsel vm13, $0x7200, v7;
	v0 =	vsel vm14, $0x280, v0;
	v1 =	vsel vm14, $0x1280, v1  }
0x17: {  	v2 =	vsel vm14, $0x2280, v2;
	v3 =	vsel vm14, $0x3280, v3;
	v4 =	vsel vm14, $0x4280, v4  }
0x18: {  	v5 =	vsel vm14, $0x5280, v5;
	v6 =	vsel vm14, $0x6280, v6;
	v7 =	vsel vm14, $0x7280, v7  }
0x19: {  	v0 =	vsel vm8, $0x300, v0;
	v1 =	vsel vm8, $0x1300, v1;
	v2 =	vsel vm8, $0x2300, v2  }
0x1a: {  	v3 =	vsel vm8, $0x3300, v3;
	v4 =	vsel vm8, $0x4300, v4;
	v5 =	vsel vm8, $0x5300, v5  }
0x1b: {  	v6 =	vsel vm8, $0x6300, v6;
	v7 =	vsel vm8, $0x7300, v7;
	v0 =	vsel vm7, $0x380, v0  }
0x1c: {  	v1 =	vsel vm7, $0x1380, v1;
	v2 =	vsel vm7, $0x2380, v2;
	v3 =	vsel vm7, $0x3380, v3  }
0x1d: {  	v4 =	vsel vm7, $0x4380, v4;
	v5 =	vsel vm7, $0x5380, v5;
	v6 =	vsel vm7, $0x6380, v6  }
0x1e: {  	v7 =	vsel vm7, $0x7380, v7;
	v0 =	vsel vm6, $0x800, v0;
	v1 =	vsel vm6, $0x1800, v1  }
0x1f: {  	v2 =	vsel vm6, $0x2800, v2;
	v3 =	vsel vm6, $0x3800, v3;
	v4 =	vsel vm6, $0x4800, v4  }
0x20: {  	v5 =	vsel vm6, $0x5800, v5;
	v6 =	vsel vm6, $0x6800, v6;
	v7 =	vsel vm6, $0x7800, v7  }
0x21: {  	v0 =	vsel vm5, $0x880, v0;
	v1 =	vsel vm5, $0x1880, v1;
	v2 =	vsel vm5, $0x2880, v2  }
0x22: {  	v3 =	vsel vm5, $0x3880, v3;
	v4 =	vsel vm5, $0x4880, v4;
	v5 =	vsel vm5, $0x5880, v5  }
0x23: {  	v6 =	vsel vm5, $0x6880, v6;
	v7 =	vsel vm5, $0x7880, v7;
	v0 =	vsel vm4, $0x900, v0  }
0x24: {  	v1 =	vsel vm4, $0x1900, v1;
	v2 =	vsel vm4, $0x2900, v2;
	v3 =	vsel vm4, $0x3900, v3  }
0x25: {  	v4 =	vsel vm4, $0x4900, v4;
	v5 =	vsel vm4, $0x5900, v5;
	v6 =	vsel vm4, $0x6900, v6  }
0x26: {  	v7 =	vsel vm4, $0x7900, v7;
	v0 =	vsel vm3, $0x980, v0;
	v1 =	vsel vm3, $0x1980, v1  }
0x27: {  	s4 =	rddreg [dreg:$0x0];
	v2 =	vsel vm3, $0x2980, v2;
	v3 =	vsel vm3, $0x3980, v3;
	v4 =	vsel vm3, $0x4980, v4  }
0x28: {  	s2 =	srdreg.scid;
	s1 =	rddreg [dreg:$0x1];
	v5 =	vsel vm3, $0x5980, v5;
	v6 =	vsel vm3, $0x6980, v6;
	v7 =	vsel vm3, $0x7980, v7  }
0x29: {  	s0 =	stileid.u32;
	s6 =	rddreg [dreg:$0x2];
	v0 =	vsel vm2, $0xA00, v0;
	v1 =	vsel vm2, $0x1A00, v1;
	v2 =	vsel vm2, $0x2A00, v2  }
0x2a: {  	s3 =	simm.s32 $0x0;
	s9 =	simm.s32 $0x8000;
	s5 =	sand.u32 $0x1, s2;
	v3 =	vsel vm2, $0x3A00, v3;
	v4 =	vsel vm2, $0x4A00, v4;
	v5 =	vsel vm2, $0x5A00, v5  }
0x2b: {  	s10 =	simm.s32 $0x8400;
	s7 =	sshll.u32 s0, $0x8;
	s8 =	sshll.u32 s5, $0x7;
	v6 =	vsel vm2, $0x6A00, v6;
	v7 =	vsel vm2, $0x7A00, v7;
	v0 =	vsel vm0, $0xA80, v0  }
0x2c: {  	s11 =	simm.s32 $0x0;
	s2 =	rddreg [dreg:$0x3];
	s7 =	sor.u32 s8, s7;
	v1 =	vsel vm0, $0x1A80, v1;
	v2 =	vsel vm0, $0x2A80, v2;
	v3 =	vsel vm0, $0x3A80, v3  }
0x2d: {  	[smem:$0x7FF] =	sst s3;
	s5 =	ssub.s32 $0x2, s5;
	s8 =	sshll.u32 s7, $0x5;
	v4 =	vsel vm0, $0x4A80, v4;
	v5 =	vsel vm0, $0x5A80, v5;
	v6 =	vsel vm0, $0x6A80, v6  }
0x2e: {  	_ =	strace $0x80000047;
	s31 =	sshrl.u32 s5, $0x1;
	s4 =	sadd.s32 s8, s4;
	v7 =	vsel vm0, $0x7A80, v7;
	v0 =	vsel vm1, $0xB00, v0;
	v1 =	vsel vm1, $0x1B00, v1  }
0x2f: {  	s8 =	ssub.s32 s5, s31;
	s5 =	sadd.s32 s6, s7;
	s7 =	simm.s32 $0x1;
	v2 =	vsel vm1, $0x2B00, v2;
	v3 =	vsel vm1, $0x3B00, v3;
	v4 =	vsel vm1, $0x4B00, v4  }
0x30: {  	s4 =	sadd.s32 $0xE00, s4;
	s6 =	smax.u32 s8, $0x1;
	s8 =	simm.s32 $0x400;
	v5 =	vsel vm1, $0x5B00, v5;
	v6 =	vsel vm1, $0x6B00, v6;
	v7 =	vsel vm1, $0x7B00, v7  }
.LBB2_1:
0x31: {  	[tilespmem:s3], [sflag:$0x1] =	stream.linear.gather [hbm4b:s1+s3], $0x400, $0x38;
	[tilespmem:$0xA800] =	vst v63  }
0x32: {  	_ =	swait.ge [sflag:s7], $0x400  }
0x33: {  	[sflag:s7] =	ssyncset.done $0x0  }
0x34: {  	[sflag:s7] =	ssyncadd.s32 $0xFFFFFC00  }
0x35: {  	[tilespmem:s8], [sflag:$0x1] =	stream.linear.gather [hbm4b:s4+s3], $0x8000, $0x38;
	[tilespmem:$0xA800] =	vst v63  }
0x36: {  	_ =	swait.ge [sflag:s7], $0x8000  }
0x37: {  	[sflag:s7] =	ssyncset.done $0x0  }
0x38: {  	s12 =	simm.s32 $0x8440;
	s13 =	simm.s32 $0x0;
	[sflag:s7] =	ssyncadd.s32 $0xFFFF8000  }
.LBB2_2:
0x39: {  	v8 =	vor.u32 s13, v0;
	_ =	sdelay $0x4  }
0x3a: {  	v8 =	vld.idx.msk [tilespmem:v8+s8+$0x0], $0xffff;
	_ =	sdelay $0x7  }
0x3b: {  	v8 =	vld.idx.msk [tilespmem:v8+s3+$0x0], $0xffff  }
0x3c: {  	v9 =	vor.u32 s13, v1;
	_ =	sdelay $0x3  }
0x3d: {  	[tilespmem:s12+$0xFFFFFFC0] =	vst v8  }
0x3e: {  	v8 =	vld.idx.msk [tilespmem:v9+s8+$0x0], $0xffff;
	_ =	sdelay $0x7  }
0x3f: {  	v8 =	vld.idx.msk [tilespmem:v8+s3+$0x0], $0xffff  }
0x40: {  	v58 =	vor.u32 s13, v2;
	_ =	sdelay $0x3  }
0x41: {  	[tilespmem:s12+$0xFFFFFFD0] =	vst v8  }
0x42: {  	v8 =	vld.idx.msk [tilespmem:v58+s8+$0x0], $0xffff;
	_ =	sdelay $0x7  }
0x43: {  	v8 =	vld.idx.msk [tilespmem:v8+s3+$0x0], $0xffff  }
0x44: {  	v59 =	vor.u32 s13, v3;
	_ =	sdelay $0x3  }
0x45: {  	[tilespmem:s12+$0xFFFFFFE0] =	vst v8  }
0x46: {  	v8 =	vld.idx.msk [tilespmem:v59+s8+$0x0], $0xffff;
	_ =	sdelay $0x7  }
0x47: {  	v8 =	vld.idx.msk [tilespmem:v8+s3+$0x0], $0xffff  }
0x48: {  	v60 =	vor.u32 s13, v4;
	_ =	sdelay $0x3  }
0x49: {  	[tilespmem:s12+$0xFFFFFFF0] =	vst v8  }
0x4a: {  	v8 =	vld.idx.msk [tilespmem:v60+s8+$0x0], $0xffff;
	_ =	sdelay $0x7  }
0x4b: {  	v8 =	vld.idx.msk [tilespmem:v8+s3+$0x0], $0xffff  }
0x4c: {  	v61 =	vor.u32 s13, v5;
	_ =	sdelay $0x3  }
0x4d: {  	[tilespmem:s12+$0x0] =	vst v8  }
0x4e: {  	v8 =	vld.idx.msk [tilespmem:v61+s8+$0x0], $0xffff;
	_ =	sdelay $0x7  }
0x4f: {  	v8 =	vld.idx.msk [tilespmem:v8+s3+$0x0], $0xffff  }
0x50: {  	v62 =	vor.u32 s13, v6;
	_ =	sdelay $0x3  }
0x51: {  	[tilespmem:s12+$0x10] =	vst v8  }
0x52: {  	v8 =	vld.idx.msk [tilespmem:v62+s8+$0x0], $0xffff;
	_ =	sdelay $0x7  }
0x53: {  	v8 =	vld.idx.msk [tilespmem:v8+s3+$0x0], $0xffff  }
0x54: {  	v63 =	vor.u32 s13, v7;
	_ =	sdelay $0x3  }
0x55: {  	[tilespmem:s12+$0x20] =	vst v8  }
0x56: {  	v8 =	vld.idx.msk [tilespmem:v63+s8+$0x0], $0xffff;
	_ =	sdelay $0x7  }
0x57: {  	p0 =	sne.s32 s13, $0x47;
	v8 =	vld.idx.msk [tilespmem:v8+s3+$0x0], $0xffff  }
.Ltmp0:
0x58: {  	_ = 	snop;
	(pc) =	sbr.rel @p0 .LBB2_2-.Ltmp0, $2  }
0x59: {  	_ =	sdelay $0x2  }
0x5a: {  	s13 =	sadd.s32 $0x1, s13;
	[tilespmem:s12+$0x30] =	vst v8;
	s12 =	sadd.s32 $0x80, s12  }
0x5b: {  	s11 =	sadd.s32 $0x1, s11  }
0x5c: {  	p0 =	sne.s32 s11, s6  }
.Ltmp1:
0x5d: {  	_ = 	snop;
	(pc) =	sbr.rel @p0 .LBB2_1-.Ltmp1, $4  }
0x5e: {  	[hbm4b:s5+s8] =	stream.strided.scatter [tilespmem:s10], [sflag:$0x1], $0x2400, s9, s8, $0x38;
	[tilespmem:$0xA800] =	vst v63  }
0x5f: {  	_ =	swait.ge [sflag:s7], $0x2400  }
0x60: {  	[sflag:s7] =	ssyncset.done $0x0  }
0x61: {  	[sflag:s7] =	ssyncadd.s32 $0xFFFFDC00  }
0x62: {  	_ =	sfence.sel $0x180000  }
0x63: {  	[bflag:$0x0] =	sbarrier.arrive $0xFFFF  }
0x64: {  	p0 =	sne.s32 s0, $0x0;
	_ =	strace $0x90000047  }
0x65: {  	s0 =	sadd.s32 @!p0 $0x100000, s2;
	[bflag:$0x2] =	sbarrier.arrive $0xFFFF  }
0x66: {  	[sflag:s0] =	ssyncadd.tile.s32 @!p0 $0x1;
	_ =	shalt  }
.Lfunc_end2:
_tile_overlayer_lowered:
.L_overlay_start_2:
0x67: {  	(tag) =	ssettag $0x2  }
0x68: {  	s0 =	rddreg [dreg:$0x0];
	s2 =	stileid.u32  }
0x69: {  	s1 =	rddreg [dreg:$0x1];
	p0 =	sne.s32 s2, $0x0  }
0x6a: {  	s3 =	rddreg [dreg:$0x2];
	[bflag:$0x3] =	sbarrier.arrive $0xFFFF;
	s2 =	simm.s32 @!p0 $0x1C01  }
0x6b: {  	[timem:s3], [sflag:s2] =	dma.local @!p0 [hbm:s0], s1  }
0x6c: {  	s0 =	simm.s32 @!p0 $0x1  }
0x6d: {  	_ =	swait.ge @!p0 [sflag:s0], s1  }
0x6e: {  	s1 =	ssub.s32 @!p0 $0x0, s1;
	[sflag:s0] =	ssyncset.done @!p0 $0x0  }
0x6f: {  	[sflag:s0] =	ssyncadd.s32 @!p0 s1  }
0x70: {  	[bflag:$0x3] =	sbarrier.arrive $0xFFFF  }
0x71: {  	_ =	shalt  }

// kernel: _impl.9.cloned.1.call-start
scs
__scs_entry_jumppad:
0x0: {  	(pc) =	sbr.rel $0x88, $3  }
0x1: {  	(tag) =	ssettag $0x0;
	lr =	simm.s32 $0x1  }
0x2: {  	[smem:$0x3F9E] =	sst lr;
	_ =	strace $0xD0000000  }
0x3: {  	_ = 	snop  }
0x4: {  	_ = 	snop  }
0x5: {  	_ = 	snop  }
0x6: {  	_ = 	snop  }
0x7: {  	_ = 	snop  }
__scs_overlays_trampoline_lowered:
0x8: {  	[smem:$0x3FAD] =	sst s0  }
0x9: {  	[smem:$0x3FAE] =	sst s1  }
0xa: {  	[smem:$0x3FAF] =	sst s2  }
0xb: {  	[smem:$0x3FB0] =	sst s3  }
0xc: {  	[smem:$0x3FB1] =	sst s4  }
0xd: {  	[smem:$0x3FB2] =	sst s5  }
0xe: {  	[smem:$0x3FB3] =	sst s6  }
0xf: {  	[smem:$0x3FB4] =	sst s7  }
0x10: {  	[smem:$0x3FB5] =	sst s8  }
0x11: {  	[smem:$0x3FB6] =	sst s9;
	s0 =	simm.s32 @!p0 $0x0  }
0x12: {  	s1 =	sld [smem:$0x3F9C];
	s0 =	simm.s32 @p0 $0x1  }
0x13: {  	[smem:$0x3FB7] =	sst s0;
	s0 =	simm.s32 @!p1 $0x0  }
0x14: {  	s2 =	sld [smem:$0x3F9B];
	s0 =	simm.s32 @p1 $0x1  }
0x15: {  	[smem:$0x3FB8] =	sst s0;
	s0 =	simm.s32 @!p2 $0x0  }
0x16: {  	s3 =	sld [smem:$0x3FDB];
	s0 =	simm.s32 @p2 $0x1  }
0x17: {  	s4 =	simm.s32 $0x1BF5;
	[smem:$0x3FBA] =	sst s0  }
0x18: {  	s0 =	sld [smem:$0x3F9D];
	_ =	swait.ge [sflag:s4], $0x0  }
0x19: {  	s7 =	sld [smem:$0x3F9E]  }
0x1a: {  	s8 =	sadd.s32 $0xFFFFE003, lr  }
0x1b: {  	s9 =	sadd.s32 $0xFFFFFEF7, lr;
	s5 =	simm.s32 $0xFFFFFFFF;
	p2 =	slt.u32 s8, $0xFFFFF086  }
0x1c: {  	p1 =	slt.u32 s9, $0xF7A;
	s5 =	simm.s32 @!p2 $0x0  }
0x1d: {  	s5 =	simm.s32 @p1 $0x1;
	p0 =	seq.s32 s7, s2  }
0x1e: {  	s7 =	smul.u32 @!p0 $0xF7A, s2;
	p2 =	seq.s32 @!p0 s5, $0x0  }
0x1f: {  	s9 =	smul.u32 $0xF7A, s1;
	s8 =	simm.s32 @!p0 $0x1BF5;
	p2 =	por !p2, p0  }
0x20: {  	[sflag:s8] =	ssyncset.s32 @!p0 $0xFFFFF086;
	s6 =	sadd.s32 @!p0 s3, s7;
	s7 =	simm.s32 @!p0 $0x108  }
0x21: {  	s3 =	sadd.s32 s3, s9;
	s6 =	sadd.s32 @!p0 $0x88, s6;
	s7 =	simm.s32 @p2 $0x1082  }
0x22: {  	[simem:s7], [sflag:s8] =	dma.local @!p0 [hbm:s6], $0xF7A  }
0x23: {  	s9 =	sor.u32 $0xD0000000, s2;
	s6 =	simm.s32 $0x108;
	_ =	swait.ge @!p0 [sflag:s8], $0x0  }
0x24: {  	s3 =	sadd.s32 $0x88, s3;
	s6 =	simm.s32 @!p1 $0x1082;
	[sflag:s4] =	ssyncset.s32 $0xFFFFF086  }
0x25: {  	[simem:s6], [sflag:s4] =	dma.local [hbm:s3], $0xF7A  }
0x26: {  	[smem:$0x3F9E] =	sst s1;
	(tag) =	ssettag s2;
	_ =	strace s9  }
0x27: {  	s1 =	sld [smem:$0x3FAE]  }
0x28: {  	s2 =	sld [smem:$0x3FAF]  }
0x29: {  	s4 =	sld [smem:$0x3FB1]  }
0x2a: {  	p0 =	seq.s32 s5, $0x0;
	s5 =	sld [smem:$0x3FB2]  }
0x2b: {  	s6 =	sld [smem:$0x3FB3]  }
0x2c: {  	s7 =	sld [smem:$0x3FB4]  }
0x2d: {  	s3 =	simm.s32 $0x108;
	s8 =	sld [smem:$0x3FB5]  }
0x2e: {  	s3 =	simm.s32 @!p0 $0x1082;
	s9 =	sld [smem:$0x3FB6]  }
0x2f: {  	lr =	sadd.s32 s0, s3;
	s0 =	sld [smem:$0x3FAD]  }
0x30: {  	s3 =	sld [smem:$0x3FB0]  }
0x31: {  	[smem:$0x3FB9] =	sst s10  }
0x32: {  	s10 =	sld [smem:$0x3FB7];
	_ =	sdelay $0x3  }
0x33: {  	p0 =	seq.s32 s10, $0x1;
	s10 =	sld [smem:$0x3FB9];
	_ =	sdelay $0x3  }
0x34: {  	[smem:$0x3FB9] =	sst s10  }
0x35: {  	s10 =	sld [smem:$0x3FB8];
	_ =	sdelay $0x3  }
0x36: {  	p1 =	seq.s32 s10, $0x1;
	s10 =	sld [smem:$0x3FB9];
	_ =	sdelay $0x3  }
0x37: {  	[smem:$0x3FB9] =	sst s10  }
0x38: {  	s10 =	sld [smem:$0x3FBA]  }
0x39: {  	_ = 	snop;
	(pc) =	sbr.ind lr, $3  }
0x3a: {  	_ = 	snop  }
0x3b: {  	_ = 	snop  }
0x3c: {  	p2 =	seq.s32 s10, $0x1;
	s10 =	sld [smem:$0x3FB9]  }
0x3d: {  	_ =	shalt  }
0x3e: {  	_ =	shalt  }
0x3f: {  	_ =	shalt  }
0x40: {  	_ =	shalt  }
0x41: {  	_ =	shalt  }
0x42: {  	_ =	shalt  }
0x43: {  	_ =	shalt  }
0x44: {  	_ =	shalt  }
0x45: {  	_ =	shalt  }
0x46: {  	_ =	shalt  }
0x47: {  	_ =	shalt  }
0x48: {  	_ =	shalt  }
0x49: {  	_ =	shalt  }
0x4a: {  	_ =	shalt  }
0x4b: {  	_ =	shalt  }
0x4c: {  	_ =	shalt  }
0x4d: {  	_ =	shalt  }
0x4e: {  	_ =	shalt  }
0x4f: {  	_ =	shalt  }
0x50: {  	_ =	shalt  }
0x51: {  	_ =	shalt  }
0x52: {  	_ =	shalt  }
0x53: {  	_ =	shalt  }
0x54: {  	_ =	shalt  }
0x55: {  	_ =	shalt  }
0x56: {  	_ =	shalt  }
0x57: {  	_ =	shalt  }
0x58: {  	_ =	shalt  }
0x59: {  	_ =	shalt  }
0x5a: {  	_ =	shalt  }
0x5b: {  	_ =	shalt  }
0x5c: {  	_ =	shalt  }
0x5d: {  	_ =	shalt  }
0x5e: {  	_ =	shalt  }
0x5f: {  	_ =	shalt  }
0x60: {  	_ =	shalt  }
0x61: {  	_ =	shalt  }
0x62: {  	_ =	shalt  }
0x63: {  	_ =	shalt  }
0x64: {  	_ =	shalt  }
0x65: {  	_ =	shalt  }
0x66: {  	_ =	shalt  }
0x67: {  	_ =	shalt  }
0x68: {  	_ =	shalt  }
0x69: {  	_ =	shalt  }
0x6a: {  	_ =	shalt  }
0x6b: {  	_ =	shalt  }
0x6c: {  	_ =	shalt  }
0x6d: {  	_ =	shalt  }
0x6e: {  	_ =	shalt  }
0x6f: {  	_ =	shalt  }
0x70: {  	_ =	shalt  }
0x71: {  	_ =	shalt  }
0x72: {  	_ =	shalt  }
0x73: {  	_ =	shalt  }
0x74: {  	_ =	shalt  }
0x75: {  	_ =	shalt  }
0x76: {  	_ =	shalt  }
0x77: {  	_ =	shalt  }
0x78: {  	_ =	shalt  }
0x79: {  	_ =	shalt  }
0x7a: {  	_ =	shalt  }
0x7b: {  	_ =	shalt  }
0x7c: {  	_ =	shalt  }
0x7d: {  	_ =	shalt  }
0x7e: {  	_ =	shalt  }
0x7f: {  	_ =	shalt  }
0x80: {  	_ =	shalt  }
0x81: {  	_ =	shalt  }
0x82: {  	_ =	shalt  }
0x83: {  	_ =	shalt  }
0x84: {  	_ =	shalt  }
0x85: {  	_ =	shalt  }
0x86: {  	_ =	shalt  }
0x87: {  	_ =	shalt  }
.Lfunc_end0:
.L_simem_size_0:
called_computation.1_lowered:
.L_overlay_start_0:
0x88: {  	s2 =	sld [smem:$0x3FD9]  }
0x89: {  	s3 =	sld [smem:$0x3FFE];
	_ =	sdelay $0x1  }
0x8a: {  	s1 =	srdreg.scid  }
0x8b: {  	s0 =	sand.u32 $0x1, s1  }
0x8c: {  	s17 =	sshll.u32 s0, $0xA;
	s2 =	sadd.s32 s3, s2  }
0x8d: {  	s2 =	sadd.s32 s2, s17  }
0x8e: {  	[smem:$0x3FC5] =	sst s2  }
0x8f: {  	_ = 	snop  }
0x90: {  	s18 =	sld [smem:$0x3FC8];
	(tm) =	ssettm $0x1  }
0x91: {  	s19 =	sld [smem:$0x3FFB];
	_ =	sdelay $0x3  }
0x92: {  	_ =	strace s19  }
0x93: {  	s2 =	sld [smem:$0x3FFC];
	_ =	sdelay $0x3  }
0x94: {  	_ =	strace s2  }
0x95: {  	s2 =	sld [smem:$0x3FFD];
	_ =	sdelay $0x3  }
0x96: {  	_ =	strace s2  }
0x97: {  	_ =	strace $0x8FFFFFFF  }
0x98: {  	s20 =	sld [smem:$0x3FDB];
	_ =	sdelay $0x1  }
0x99: {  	s4 =	simm.s32 $_scs_section_size  }
0x9a: {  	s5 =	simm.s32 $_size__tile_overlayer_lowered;
	s6 =	simm.s32 $_tile_overlayer_lowered  }
0x9b: {  	s7 =	simm.s32 $0x1BFF;
	s21 =	sshll.u32 s6, $0x1;
	s4 =	sadd.s32 s4, s20  }
0x9c: {  	s22 =	simm.s32 $0x0;
	s5 =	sshll.u32 s5, $0x1;
	s6 =	sadd.s32 s21, s4  }
0x9d: {  	[timem:s22], [sflag:s7] =	dma.local [hbm:s6], s5  }
0x9e: {  	_ =	swait.ge [sflag:s7], s5  }
0x9f: {  	s5 =	ssub.s32 $0x0, s5;
	[sflag:s7] =	ssyncset.done $0x0  }
0xa0: {  	[sflag:s7] =	ssyncadd.s32 s5;
	_ =	sdelay $0x1  }
0xa1: {  	s23 =	simm.s32 $0x1B8B  }
0xa2: {  	_ =	swait.ge [sflag:s23], $0x1  }
0xa3: {  	[sflag:s23] =	ssyncset.done $0x0  }
0xa4: {  	[sflag:s23] =	ssyncadd.s32 $0xFFFFFFFF  }
0xa5: {  	s5 =	sld [smem:$0x0]  }
0xa6: {  	s6 =	sand.u32 $0xFFFFFFFE, s1  }
0xa7: {  	p0 =	sne.s32 s1, s6  }
0xa8: {  	s6 =	sshll.u32 @p0 s6, $0xE  }
0xa9: {  	s6 =	sadd.s32 @p0 $0x11B8D, s6;
	s7 =	sshll.u32 @p0 s5, $0x11  }
0xaa: {  	s6 =	sor.u32 @p0 s7, s6  }
0xab: {  	[sflag:s6] =	ssyncadd.remote.s32 @p0 $0x1;
	_ =	sdelay $0x1  }
0xac: {  	s6 =	simm.s32 @p0 $0x1B8D  }
0xad: {  	_ =	swait.eq @p0 [sflag:s6], $0x1  }
0xae: {  	[sflag:s6] =	ssyncadd.s32 @p0 $0xFFFFFFFF  }
0xaf: {  	s7 =	sshll.u32 @!p0 s1, $0xE  }
0xb0: {  	s7 =	sor.u32 @!p0 $0x4000, s7;
	s6 =	simm.s32 @!p0 $0x1B8D  }
0xb1: {  	s5 =	sshll.u32 @!p0 s5, $0x11;
	s7 =	sadd.s32 @!p0 $0x11B8D, s7;
	_ =	swait.eq @!p0 [sflag:s6], $0x1  }
0xb2: {  	s5 =	sor.u32 @!p0 s5, s7;
	[sflag:s6] =	ssyncadd.s32 @!p0 $0xFFFFFFFF  }
0xb3: {  	s25 =	simm.s32 $0x1B8E;
	s24 =	sld [smem:$0x3FFE];
	[sflag:s5] =	ssyncadd.remote.s32 @!p0 $0x1  }
0xb4: {  	s26 =	simm.s32 $execute0_lowered;
	[smem:$0x3FD2] =	sst s25  }
0xb5: {  	s6 =	sshll.u32 s26, $0x1;
	_ =	strace $0x80000049;
	[dreg:$0x1] =	wrdreg $0xFFFFFFFF  }
0xb6: {  	s28 =	simm.s32 $_size_execute0_lowered;
	s4 =	sadd.s32 s4, s6;
	[dreg:$0x0] =	wrdreg $0x0  }
0xb7: {  	s6 =	sshll.u32 s28, $0x1;
	[dreg:$0x2] =	wrdreg s4  }
0xb8: {  	[dreg:$0x3] =	wrdreg s6  }
0xb9: {  	[dreg:$0x4] =	wrdreg $0xC0  }
0xba: {  	_ =	task [dreg:s22], $0x5FFFF  }
0xbb: {  	[dreg:$0x1] =	wrdreg $0xFFFFFFFF  }
0xbc: {  	[dreg:$0x0] =	wrdreg $0x60  }
0xbd: {  	[dreg:$0x2] =	wrdreg s24  }
0xbe: {  	[dreg:$0x3] =	wrdreg s18  }
0xbf: {  	[dreg:$0x4] =	wrdreg $0xA  }
0xc0: {  	_ =	task.clear_ibuf [dreg:s22], $0x5FFFF;
	_ =	strace $0x90000049  }
0xc1: {  	s29 =	simm.s32 $0xA;
	_ =	strace $0x8000004B  }
0xc2: {  	_ =	swait.ge [sflag:s29], $0x1  }
0xc3: {  	[sflag:s29] =	ssyncadd.s32 $0xFFFFFFFF  }
0xc4: {  	_ =	strace $0x9000004B  }
0xc5: {  	_ =	sfence  }
0xc6: {  	s30 =	sld [smem:$0x0];
	_ =	sdelay $0x2  }
0xc7: {  	s31 =	sshll.u32 s1, $0xD;
	s1 =	sshrl.u32 s1, $0x2  }
0xc8: {  	s4 =	sand.u32 $0x4000, s31;
	s1 =	sadd.s32 s1, s30  }
0xc9: {  	s0 =	sor.u32 s4, s0;
	s1 =	sshll.u32 s1, $0x11  }
0xca: {  	s0 =	sor.u32 s1, s0  }
0xcb: {  	s0 =	sadd.s32 $0x8F2B, s0  }
0xcc: {  	[sflag:s0] =	ssyncadd.remote.s32 $0x1  }
0xcd: {  	_ =	sfence.sel $0xFFFF  }
0xce: {  	[dreg:$0x0] =	wrdreg $0xFFFFFFFF;
	(pc) =	sbr.abs _section_cstart, $3  }
0xcf: {  	[dreg:$0x1] =	wrdreg $0xFFFFFFFF  }
0xd0: {  	_ =	task.clear_ibuf [dreg:s22], $0x2FFFF;
	_ =	strace $0x9FFFFFFF  }
0xd1: {  	(tm) =	ssettm $0x7FFFFFFF  }
tec
execute0_lowered:
.L_overlay_start_1:
0x0: {  	(tag) =	ssettag $0x1  }
0x1: {  	v0 =	vimm.s32 $0xB80;
	vm10 =	vcmask $0x300  }
0x2: {  	v1 =	vimm.s32 $0x1B80;
	vm11 =	vcmask $0x704;
	vm12 =	vcmask $0xB08  }
0x3: {  	vm13 =	vcmask $0xF0C;
	vm14 =	vcmask $0x1310;
	vm9 =	vcmask $0x1714  }
0x4: {  	vm8 =	vcmask $0x1B18;
	vm7 =	vcmask $0x1F1C;
	vm6 =	vcmask $0x2320  }
0x5: {  	vm5 =	vcmask $0x2724;
	vm4 =	vcmask $0x2B28;
	vm3 =	vcmask $0x2F2C  }
0x6: {  	vm2 =	vcmask $0x3330;
	vm0 =	vcmask $0x3734;
	vm1 =	vcmask $0x3B38  }
0x7: {  	v2 =	vimm.s32 $0x2B80;
	v3 =	vimm.s32 $0x3B80;
	v4 =	vimm.s32 $0x4B80  }
0x8: {  	v5 =	vimm.s32 $0x5B80;
	v6 =	vimm.s32 $0x6B80;
	v7 =	vimm.s32 $0x7B80  }
0x9: {  	v0 =	vsel vm10, $0x0, v0;
	v1 =	vsel vm10, $0x1000, v1;
	v2 =	vsel vm10, $0x2000, v2  }
0xa: {  	v3 =	vsel vm10, $0x3000, v3;
	v4 =	vsel vm10, $0x4000, v4;
	v5 =	vsel vm10, $0x5000, v5  }
0xb: {  	v6 =	vsel vm10, $0x6000, v6;
	v7 =	vsel vm10, $0x7000, v7;
	v0 =	vsel vm11, $0x80, v0  }
0xc: {  	v1 =	vsel vm11, $0x1080, v1;
	v2 =	vsel vm11, $0x2080, v2;
	v3 =	vsel vm11, $0x3080, v3  }
0xd: {  	v4 =	vsel vm11, $0x4080, v4;
	v5 =	vsel vm11, $0x5080, v5;
	v6 =	vsel vm11, $0x6080, v6  }
0xe: {  	v7 =	vsel vm11, $0x7080, v7;
	v0 =	vsel vm12, $0x100, v0;
	v1 =	vsel vm12, $0x1100, v1  }
0xf: {  	v2 =	vsel vm12, $0x2100, v2;
	v3 =	vsel vm12, $0x3100, v3;
	v4 =	vsel vm12, $0x4100, v4  }
0x10: {  	v5 =	vsel vm12, $0x5100, v5;
	v6 =	vsel vm12, $0x6100, v6;
	v7 =	vsel vm12, $0x7100, v7  }
0x11: {  	v0 =	vsel vm13, $0x180, v0;
	v1 =	vsel vm13, $0x1180, v1;
	v2 =	vsel vm13, $0x2180, v2  }
0x12: {  	v3 =	vsel vm13, $0x3180, v3;
	v4 =	vsel vm13, $0x4180, v4;
	v5 =	vsel vm13, $0x5180, v5  }
0x13: {  	v6 =	vsel vm13, $0x6180, v6;
	v7 =	vsel vm13, $0x7180, v7;
	v0 =	vsel vm14, $0x200, v0  }
0x14: {  	v1 =	vsel vm14, $0x1200, v1;
	v2 =	vsel vm14, $0x2200, v2;
	v3 =	vsel vm14, $0x3200, v3  }
0x15: {  	v4 =	vsel vm14, $0x4200, v4;
	v5 =	vsel vm14, $0x5200, v5;
	v6 =	vsel vm14, $0x6200, v6  }
0x16: {  	v7 =	vsel vm14, $0x7200, v7;
	v0 =	vsel vm9, $0x280, v0;
	v1 =	vsel vm9, $0x1280, v1  }
0x17: {  	v2 =	vsel vm9, $0x2280, v2;
	v3 =	vsel vm9, $0x3280, v3;
	v4 =	vsel vm9, $0x4280, v4  }
0x18: {  	v5 =	vsel vm9, $0x5280, v5;
	v6 =	vsel vm9, $0x6280, v6;
	v7 =	vsel vm9, $0x7280, v7  }
0x19: {  	v0 =	vsel vm8, $0x300, v0;
	v1 =	vsel vm8, $0x1300, v1;
	v2 =	vsel vm8, $0x2300, v2  }
0x1a: {  	v3 =	vsel vm8, $0x3300, v3;
	v4 =	vsel vm8, $0x4300, v4;
	v5 =	vsel vm8, $0x5300, v5  }
0x1b: {  	v6 =	vsel vm8, $0x6300, v6;
	v7 =	vsel vm8, $0x7300, v7;
	v0 =	vsel vm7, $0x380, v0  }
0x1c: {  	v1 =	vsel vm7, $0x1380, v1;
	v2 =	vsel vm7, $0x2380, v2;
	v3 =	vsel vm7, $0x3380, v3  }
0x1d: {  	v4 =	vsel vm7, $0x4380, v4;
	v5 =	vsel vm7, $0x5380, v5;
	v6 =	vsel vm7, $0x6380, v6  }
0x1e: {  	v7 =	vsel vm7, $0x7380, v7;
	v0 =	vsel vm6, $0x800, v0;
	v1 =	vsel vm6, $0x1800, v1  }
0x1f: {  	v2 =	vsel vm6, $0x2800, v2;
	v3 =	vsel vm6, $0x3800, v3;
	v4 =	vsel vm6, $0x4800, v4  }
0x20: {  	v5 =	vsel vm6, $0x5800, v5;
	v6 =	vsel vm6, $0x6800, v6;
	v7 =	vsel vm6, $0x7800, v7  }
0x21: {  	v0 =	vsel vm5, $0x880, v0;
	v1 =	vsel vm5, $0x1880, v1;
	v2 =	vsel vm5, $0x2880, v2  }
0x22: {  	v3 =	vsel vm5, $0x3880, v3;
	v4 =	vsel vm5, $0x4880, v4;
	v5 =	vsel vm5, $0x5880, v5  }
0x23: {  	v6 =	vsel vm5, $0x6880, v6;
	v7 =	vsel vm5, $0x7880, v7;
	v0 =	vsel vm4, $0x900, v0  }
0x24: {  	v1 =	vsel vm4, $0x1900, v1;
	v2 =	vsel vm4, $0x2900, v2;
	v3 =	vsel vm4, $0x3900, v3  }
0x25: {  	v4 =	vsel vm4, $0x4900, v4;
	v5 =	vsel vm4, $0x5900, v5;
	v6 =	vsel vm4, $0x6900, v6  }
0x26: {  	v7 =	vsel vm4, $0x7900, v7;
	v0 =	vsel vm3, $0x980, v0;
	v1 =	vsel vm3, $0x1980, v1  }
0x27: {  	s4 =	rddreg [dreg:$0x0];
	v2 =	vsel vm3, $0x2980, v2;
	v3 =	vsel vm3, $0x3980, v3;
	v4 =	vsel vm3, $0x4980, v4  }
0x28: {  	s1 =	rddreg [dreg:$0x1];
	s3 =	srdreg.scid;
	v5 =	vsel vm3, $0x5980, v5;
	v6 =	vsel vm3, $0x6980, v6;
	v7 =	vsel vm3, $0x7980, v7  }
0x29: {  	s0 =	rddreg [dreg:$0x2];
	s2 =	stileid.u32;
	v0 =	vsel vm2, $0xA00, v0;
	v1 =	vsel vm2, $0x1A00, v1;
	v2 =	vsel vm2, $0x2A00, v2  }
0x2a: {  	s9 =	simm.s32 $0x8000;
	s10 =	simm.s32 $0x8400;
	s11 =	simm.s32 $0x0;
	v3 =	vsel vm2, $0x3A00, v3;
	v4 =	vsel vm2, $0x4A00, v4;
	v5 =	vsel vm2, $0x5A00, v5  }
0x2b: {  	s5 =	sand.u32 $0x1, s3;
	s3 =	simm.s32 $0x0;
	s6 =	sshll.u32 s2, $0x8;
	v6 =	vsel vm2, $0x6A00, v6;
	v7 =	vsel vm2, $0x7A00, v7;
	v0 =	vsel vm0, $0xA80, v0  }
0x2c: {  	s7 =	sshll.u32 s5, $0x7;
	[smem:$0x7FF] =	sst s3;
	s5 =	ssub.s32 $0x2, s5;
	v1 =	vsel vm0, $0x1A80, v1;
	v2 =	vsel vm0, $0x2A80, v2;
	v3 =	vsel vm0, $0x3A80, v3  }
0x2d: {  	s6 =	sor.u32 s7, s6;
	_ =	strace $0x8000004A;
	s31 =	sshrl.u32 s5, $0x1;
	v4 =	vsel vm0, $0x4A80, v4;
	v5 =	vsel vm0, $0x5A80, v5;
	v6 =	vsel vm0, $0x6A80, v6  }
0x2e: {  	s7 =	sshll.u32 s6, $0x5;
	s6 =	sadd.s32 s6, s4;
	s8 =	ssub.s32 s5, s31;
	v7 =	vsel vm0, $0x7A80, v7;
	v0 =	vsel vm1, $0xB00, v0;
	v1 =	vsel vm1, $0x1B00, v1  }
0x2f: {  	s7 =	sadd.s32 s7, s4;
	s5 =	sadd.s32 $0x20E00, s6;
	s6 =	smax.u32 s8, $0x1;
	v2 =	vsel vm1, $0x2B00, v2;
	v3 =	vsel vm1, $0x3B00, v3;
	v4 =	vsel vm1, $0x4B00, v4  }
0x30: {  	s8 =	simm.s32 $0x400;
	s4 =	sadd.s32 $0xE00, s7;
	s7 =	simm.s32 $0x1;
	v5 =	vsel vm1, $0x5B00, v5;
	v6 =	vsel vm1, $0x6B00, v6;
	v7 =	vsel vm1, $0x7B00, v7  }
.LBB2_1:
0x31: {  	[tilespmem:s3], [sflag:$0x1] =	stream.linear.gather [hbm4b:s1+s3], $0x400, $0x38;
	[tilespmem:$0xC400] =	vst v63  }
0x32: {  	_ =	swait.ge [sflag:s7], $0x400  }
0x33: {  	[sflag:s7] =	ssyncset.done $0x0  }
0x34: {  	[sflag:s7] =	ssyncadd.s32 $0xFFFFFC00  }
0x35: {  	[tilespmem:s8], [sflag:$0x1] =	stream.linear.gather [hbm4b:s4+s3], $0x8000, $0x38;
	[tilespmem:$0xC400] =	vst v63  }
0x36: {  	_ =	swait.ge [sflag:s7], $0x8000  }
0x37: {  	[sflag:s7] =	ssyncset.done $0x0  }
0x38: {  	s12 =	simm.s32 $0x48;
	s13 =	simm.s32 $0x8440;
	[sflag:s7] =	ssyncadd.s32 $0xFFFF8000  }
.LBB2_2:
0x39: {  	v8 =	vmov s12  }
0x3a: {  	v9 =	vshll.u32 v8, $0x3  }
0x3b: {  	v8 =	vand.u32 $0x7F, v8;
	v9 =	vand.u32 $0x400, v9  }
0x3c: {  	v8 =	vor.u32 v8, v9  }
0x3d: {  	v9 =	vor.u32 v0, v8;
	_ =	sdelay $0x4  }
0x3e: {  	v9 =	vld.idx.msk [tilespmem:v9+s8+$0x0], $0xffff;
	_ =	sdelay $0x7  }
0x3f: {  	v9 =	vld.idx.msk [tilespmem:v9+s3+$0x0], $0xffff  }
0x40: {  	v10 =	vor.u32 v1, v8;
	_ =	sdelay $0x3  }
0x41: {  	[tilespmem:s13+$0xFFFFFFC0] =	vst v9  }
0x42: {  	v9 =	vld.idx.msk [tilespmem:v10+s8+$0x0], $0xffff;
	_ =	sdelay $0x7  }
0x43: {  	v9 =	vld.idx.msk [tilespmem:v9+s3+$0x0], $0xffff  }
0x44: {  	v59 =	vor.u32 v2, v8;
	_ =	sdelay $0x3  }
0x45: {  	[tilespmem:s13+$0xFFFFFFD0] =	vst v9  }
0x46: {  	v9 =	vld.idx.msk [tilespmem:v59+s8+$0x0], $0xffff;
	_ =	sdelay $0x7  }
0x47: {  	v9 =	vld.idx.msk [tilespmem:v9+s3+$0x0], $0xffff  }
0x48: {  	v60 =	vor.u32 v3, v8;
	_ =	sdelay $0x3  }
0x49: {  	[tilespmem:s13+$0xFFFFFFE0] =	vst v9  }
0x4a: {  	v9 =	vld.idx.msk [tilespmem:v60+s8+$0x0], $0xffff;
	_ =	sdelay $0x7  }
0x4b: {  	v9 =	vld.idx.msk [tilespmem:v9+s3+$0x0], $0xffff  }
0x4c: {  	v61 =	vor.u32 v4, v8;
	_ =	sdelay $0x3  }
0x4d: {  	[tilespmem:s13+$0xFFFFFFF0] =	vst v9  }
0x4e: {  	v9 =	vld.idx.msk [tilespmem:v61+s8+$0x0], $0xffff;
	_ =	sdelay $0x7  }
0x4f: {  	v9 =	vld.idx.msk [tilespmem:v9+s3+$0x0], $0xffff  }
0x50: {  	v62 =	vor.u32 v5, v8;
	_ =	sdelay $0x3  }
0x51: {  	[tilespmem:s13+$0x0] =	vst v9  }
0x52: {  	v9 =	vld.idx.msk [tilespmem:v62+s8+$0x0], $0xffff;
	_ =	sdelay $0x7  }
0x53: {  	v9 =	vld.idx.msk [tilespmem:v9+s3+$0x0], $0xffff  }
0x54: {  	v63 =	vor.u32 v6, v8;
	_ =	sdelay $0x3  }
0x55: {  	[tilespmem:s13+$0x10] =	vst v9  }
0x56: {  	v9 =	vld.idx.msk [tilespmem:v63+s8+$0x0], $0xffff;
	_ =	sdelay $0x7  }
0x57: {  	v9 =	vld.idx.msk [tilespmem:v9+s3+$0x0], $0xffff  }
0x58: {  	v8 =	vor.u32 v7, v8;
	_ =	sdelay $0x3  }
0x59: {  	[tilespmem:s13+$0x20] =	vst v9  }
0x5a: {  	v8 =	vld.idx.msk [tilespmem:v8+s8+$0x0], $0xffff;
	_ =	sdelay $0x7  }
0x5b: {  	p0 =	sne.s32 s12, $0xC7;
	v8 =	vld.idx.msk [tilespmem:v8+s3+$0x0], $0xffff  }
.Ltmp0:
0x5c: {  	_ = 	snop;
	(pc) =	sbr.rel @p0 .LBB2_2-.Ltmp0, $2  }
0x5d: {  	_ =	sdelay $0x2  }
0x5e: {  	s12 =	sadd.s32 $0x1, s12;
	[tilespmem:s13+$0x30] =	vst v8;
	s13 =	sadd.s32 $0x80, s13  }
0x5f: {  	s11 =	sadd.s32 $0x1, s11  }
0x60: {  	p0 =	sne.s32 s11, s6  }
.Ltmp1:
0x61: {  	_ = 	snop;
	(pc) =	sbr.rel @p0 .LBB2_1-.Ltmp1, $4  }
0x62: {  	[hbm4b:s5+s8] =	stream.strided.scatter [tilespmem:s10], [sflag:$0x1], $0x4000, s9, s8, $0x38;
	[tilespmem:$0xC400] =	vst v63  }
0x63: {  	_ =	swait.ge [sflag:s7], $0x4000  }
0x64: {  	[sflag:s7] =	ssyncset.done $0x0  }
0x65: {  	[sflag:s7] =	ssyncadd.s32 $0xFFFFC000  }
0x66: {  	_ =	sfence.sel $0x180000  }
0x67: {  	[bflag:$0x0] =	sbarrier.arrive $0xFFFF  }
0x68: {  	p0 =	sne.s32 s2, $0x0;
	_ =	strace $0x9000004A  }
0x69: {  	s0 =	sadd.s32 @!p0 $0x100000, s0;
	[bflag:$0x2] =	sbarrier.arrive $0xFFFF  }
0x6a: {  	[sflag:s0] =	ssyncadd.tile.s32 @!p0 $0x1;
	_ =	shalt  }
.Lfunc_end2:
_tile_overlayer_lowered:
.L_overlay_start_2:
0x6b: {  	(tag) =	ssettag $0x2  }
0x6c: {  	s0 =	rddreg [dreg:$0x0];
	s2 =	stileid.u32  }
0x6d: {  	s1 =	rddreg [dreg:$0x1];
	p0 =	sne.s32 s2, $0x0  }
0x6e: {  	s3 =	rddreg [dreg:$0x2];
	[bflag:$0x3] =	sbarrier.arrive $0xFFFF;
	s2 =	simm.s32 @!p0 $0x1C01  }
0x6f: {  	[timem:s3], [sflag:s2] =	dma.local @!p0 [hbm:s0], s1  }
0x70: {  	s0 =	simm.s32 @!p0 $0x1  }
0x71: {  	_ =	swait.ge @!p0 [sflag:s0], s1  }
0x72: {  	s1 =	ssub.s32 @!p0 $0x0, s1;
	[sflag:s0] =	ssyncset.done @!p0 $0x0  }
0x73: {  	[sflag:s0] =	ssyncadd.s32 @!p0 s1  }
0x74: {  	[bflag:$0x3] =	sbarrier.arrive $0xFFFF  }
0x75: {  	_ =	shalt  }

</sc_bundles>
